<compile_context>
chip_gen: v7x
topology: tpu7x:2x2x1
jax: 0.10.2.dev20260603
libtpu: 0.0.44.dev20260713+nightly
codegen_flags: <defaults>
</compile_context>

<pallas_src>
import functools

import jax
import jax.numpy as jnp
from jax import lax
from jax.experimental import pallas as pl
from jax.experimental.pallas import tpu as pltpu
from jax.experimental.pallas import tpu_sc as plsc

VOCAB = 100000
DIM = 128
OFFSET = 30522
NC = 2
NS = 16
L = 16
NW = NC * NS
NENT = 50
NB = 4096
NTOK = NB * NENT
C = 128
NCHUNK = 50
NFULL = 6
TROW = NB // C
NBUF = 5
K = 3

_mesh = plsc.VectorSubcoreMesh(core_axis_name="c", subcore_axis_name="s")


@functools.partial(
    pl.kernel,
    mesh=_mesh,
    out_type=jax.ShapeDtypeStruct((NTOK, DIM), jnp.float32),
    scratch_types=[
        pltpu.VMEM((NCHUNK, C), jnp.int32),
        *[pltpu.VMEM((C, DIM), jnp.float32) for _ in range(NBUF)],
        pltpu.SemaphoreType.DMA,
        pltpu.SemaphoreType.DMA,
        *[pltpu.SemaphoreType.DMA for _ in range(2 * NBUF)],
    ],
)
def _gather_kernel(ids_hbm, table_hbm, out_hbm, idx_v, *bufs_sems):
    bufs = bufs_sems[:NBUF]
    sem_i0 = bufs_sems[NBUF]
    sem_i = bufs_sems[NBUF + 1]
    sgs = bufs_sems[NBUF + 2:NBUF + 2 + NBUF]
    sss = bufs_sems[NBUF + 2 + NBUF:]
    wid = lax.axis_index("s") * NC + lax.axis_index("c")

    for j in range(NFULL):
        t = NFULL * wid + j
        lt = t // TROW
        bt = t - lt * TROW
        pltpu.async_copy(
            ids_hbm.at[pl.ds(pl.multiple_of(lt * 8, 8), 8),
                       pl.ds(pl.multiple_of(bt * C, C), C)],
            idx_v.at[pl.ds(j * 8, 8)],
            sem_i0 if j == 0 else sem_i,
        )
    pltpu.async_copy(
        ids_hbm.at[pl.ds(NFULL * 8, 2),
                   pl.ds(pl.multiple_of(wid * C, C), C)],
        idx_v.at[pl.ds(NFULL * 8, 2)],
        sem_i,
    )
    pltpu.make_async_copy(ids_hbm.at[pl.ds(0, 8), pl.ds(0, C)],
                          idx_v.at[pl.ds(0, 8)], sem_i0).wait()

    def _sub(c):
        for j in range(C // L):
            sl = (c, pl.ds(j * L, L))
            idx_v[sl] = idx_v[sl] - OFFSET

    def _out_row(c):
        if isinstance(c, int) and c >= NFULL * 8:
            return pl.multiple_of(c * NB + wid * C, 8)
        t = NFULL * wid + c // 8
        lt = t // TROW
        bt = t - lt * TROW
        return pl.multiple_of((lt * 8 + c % 8) * NB + bt * C, 8)

    def _fire_gather(c, p):
        pltpu.async_copy(table_hbm.at[idx_v.at[c]], bufs[p], sgs[p])

    def _fire_store(c, p):
        pltpu.async_copy(bufs[p], out_hbm.at[pl.ds(_out_row(c), C)], sss[p])

    def _drain(p, sem):
        pltpu.make_async_copy(table_hbm.at[pl.ds(0, C)], bufs[p], sem[p]).wait()

    for c in range(K):
        _sub(c)
        _fire_gather(c, c)

    def _step(c, p, q, drain_q=False, fire=True):
        _drain(p, sgs)
        _fire_store(c, p)
        if drain_q:
            _drain(q, sss)
        if fire:
            _sub(c + K)
            _fire_gather(c + K, q)

    _step(0, 0, K % NBUF)
    _step(1, 1, (1 + K) % NBUF)

    pltpu.make_async_copy(ids_hbm.at[pl.ds(8, NCHUNK - 8), pl.ds(0, C)],
                          idx_v.at[pl.ds(8, NCHUNK - 8)], sem_i).wait()

    def _lap(k, carry):
        c0 = 2 + k * NBUF
        for b in range(NBUF):
            _step(c0 + b, (2 + b) % NBUF, b, drain_q=True)
        return carry

    lax.fori_loop(0, (NCHUNK - K - 2) // NBUF, _lap, 0)

    for c in range(NCHUNK - K, NCHUNK):
        _step(c, c % NBUF, (c - 2) % NBUF, drain_q=True, fire=False)
    _drain((NCHUNK - 2) % NBUF, sss)
    _drain((NCHUNK - 1) % NBUF, sss)


def kernel(entity_ids, entity_emb):
    bsz, num_ent = entity_ids.shape
    out = _gather_kernel(entity_ids.T, entity_emb)
    return out.reshape(num_ent, bsz, DIM).transpose(1, 0, 2)

# --- scband reference (transcript-rebuilt; emitter-appended) ---
"""Pipeline reference for scband-bert-entity-embedding-31155692765367 (READ-ONLY COPY).

The authoritative reference and input builder live on the scoring server;
editing this copy changes nothing except your own understanding.
"""

import jax, jax.numpy as jnp
import numpy as np

VOCAB = 100000
DIM = 128
B = 4096
L = 50
OFFSET = 30522


def setup_inputs(seed: int = 0) -> dict:
    key = jax.random.key(seed)
    k1, k2 = jax.random.split(key)
    # entity ids are BERT-vocab-offset ids: values in [30522, 30522 + VOCAB)
    entity_ids = jax.random.randint(k1, (B, L), OFFSET, OFFSET + VOCAB, dtype=jnp.int32)
    # learned/precomputed entity embedding table (stands in for entity_bert_emb_agg.pt)
    entity_emb = jax.random.normal(k2, (VOCAB, DIM), dtype=jnp.float32)
    return {"entity_ids": entity_ids, "entity_emb": entity_emb}


def reference(entity_ids, entity_emb):
    batch_size, num_ent = entity_ids.shape
    indices = entity_ids.reshape(-1) - OFFSET
    entity_embs = jnp.take(entity_emb, indices, axis=0)
    entity_embs = entity_embs.reshape(batch_size, num_ent, -1)
    return entity_embs

if __name__ == "__main__":
    import jax
    _d = setup_inputs()
    print(jax.jit(kernel)(*tuple(_d.values())))

</pallas_src>

<mosaic_0001>
#map = affine_map<(d0, d1) -> (0, 0)>
module attributes {stable_mosaic.version = 14 : i64} {
  func.func @_gather_kernel(%arg0: i32, %arg1: i32, %arg2: memref<50x4096xi32, #tpu.memory_space<hbm>>, %arg3: memref<100000x128xf32, #tpu.memory_space<hbm>>, %arg4: memref<204800x128xf32, #tpu.memory_space<hbm>>, %arg5: memref<50x128xi32, #tpu.memory_space<vmem>>, %arg6: memref<128x128xf32, #tpu.memory_space<vmem>>, %arg7: memref<128x128xf32, #tpu.memory_space<vmem>>, %arg8: memref<128x128xf32, #tpu.memory_space<vmem>>, %arg9: memref<128x128xf32, #tpu.memory_space<vmem>>, %arg10: memref<128x128xf32, #tpu.memory_space<vmem>>, %arg11: memref<!tpu.dma_semaphore, #tpu.memory_space<semaphore_mem>>, %arg12: memref<!tpu.dma_semaphore, #tpu.memory_space<semaphore_mem>>, %arg13: memref<!tpu.dma_semaphore, #tpu.memory_space<semaphore_mem>>, %arg14: memref<!tpu.dma_semaphore, #tpu.memory_space<semaphore_mem>>, %arg15: memref<!tpu.dma_semaphore, #tpu.memory_space<semaphore_mem>>, %arg16: memref<!tpu.dma_semaphore, #tpu.memory_space<semaphore_mem>>, %arg17: memref<!tpu.dma_semaphore, #tpu.memory_space<semaphore_mem>>, %arg18: memref<!tpu.dma_semaphore, #tpu.memory_space<semaphore_mem>>, %arg19: memref<!tpu.dma_semaphore, #tpu.memory_space<semaphore_mem>>, %arg20: memref<!tpu.dma_semaphore, #tpu.memory_space<semaphore_mem>>, %arg21: memref<!tpu.dma_semaphore, #tpu.memory_space<semaphore_mem>>, %arg22: memref<!tpu.dma_semaphore, #tpu.memory_space<semaphore_mem>>) attributes {dimension_semantics = [#tpu.dimension_semantics<core_parallel>, #tpu.dimension_semantics<subcore_parallel>], iteration_bounds = array<i64: 2, 16>, scalar_prefetch = 0 : i64, scratch_operands = 18 : i64, tpu.core_type = #tpu.core_type<sc_vector_subcore>, window_params = [{transform_indices = #map}, {transform_indices = #map}, {transform_indices = #map}]} {
    %mul3A = arith.constant 2 : i32
    %mul3A_0 = arith.muli %arg1, %mul3A : i32
    %add3A = arith.addi %mul3A_0, %arg0 : i32
    %mul3A_1 = arith.constant 6 : i32
    %mul3A_2 = arith.muli %mul3A_1, %add3A : i32
    %add3A_3 = arith.constant 0 : i32
    %add3A_4 = arith.addi %mul3A_2, %add3A_3 : i32
    %jit3A = arith.constant 32 : i32
    %div3A = arith.divsi %add3A_4, %jit3A : i32
    %sign3A = arith.constant 0 : i32
    %sign3A_5 = arith.cmpi sgt, %add3A_4, %sign3A : i32
    %sign3A_6 = arith.extui %sign3A_5 : i1 to i32
    %sign3A_7 = arith.constant 0 : i32
    %sign3A_8 = arith.cmpi slt, %add3A_4, %sign3A_7 : i32
    %sign3A_9 = arith.extui %sign3A_8 : i1 to i32
    %sign3A_10 = arith.subi %sign3A_6, %sign3A_9 : i32
    %sign3A_11 = arith.constant 0 : i32
    %sign3A_12 = arith.cmpi sgt, %jit3A, %sign3A_11 : i32
    %sign3A_13 = arith.extui %sign3A_12 : i1 to i32
    %sign3A_14 = arith.constant 0 : i32
    %sign3A_15 = arith.cmpi slt, %jit3A, %sign3A_14 : i32
    %sign3A_16 = arith.extui %sign3A_15 : i1 to i32
    %sign3A_17 = arith.subi %sign3A_13, %sign3A_16 : i32
    %ne3A = arith.cmpi ne, %sign3A_10, %sign3A_17 : i32
    %rem3A = arith.remsi %add3A_4, %jit3A : i32
    %ne3A_18 = arith.constant 0 : i32
    %ne3A_19 = arith.cmpi ne, %rem3A, %ne3A_18 : i32
    %and3A = arith.andi %ne3A, %ne3A_19 : i1
    %sub3A = arith.constant 1 : i32
    %sub3A_20 = arith.subi %div3A, %sub3A : i32
    %select_n3A = arith.select %and3A, %sub3A_20, %div3A : i32
    %mul3A_21 = arith.constant 32 : i32
    %mul3A_22 = arith.muli %select_n3A, %mul3A_21 : i32
    %sub3A_23 = arith.subi %add3A_4, %mul3A_22 : i32
    %mul3A_24 = arith.constant 8 : i32
    %mul3A_25 = arith.muli %select_n3A, %mul3A_24 : i32
    %multiple_of3A = tpu.assume_multiple %mul3A_25, 8 : i32
    %mul3A_26 = arith.constant 128 : i32
    %mul3A_27 = arith.muli %sub3A_23, %mul3A_26 : i32
    %multiple_of3A_28 = tpu.assume_multiple %mul3A_27, 128 : i32
    %dma_start3A = arith.constant 0 : i32
    %dma_start3A_29 = arith.constant 0 : i32
    %dma_start3A_30 = tpu.memref_slice %arg5[%dma_start3A, %dma_start3A_29] : memref<50x128xi32, #tpu.memory_space<vmem>> -> memref<8x128xi32, #tpu.memory_space<vmem>>
    %dma_start3A_31 = tpu.memref_slice %arg2[%multiple_of3A, %multiple_of3A_28] : memref<50x4096xi32, #tpu.memory_space<hbm>> -> memref<8x128xi32, #tpu.memory_space<hbm>>
    %dma_start3A_32 = arith.constant 0 : i32
    %dma_start3A_33 = arith.constant 0 : i32
    %dma_start3A_34 = tpu.memref_slice %arg5[%dma_start3A_32, %dma_start3A_33] : memref<50x128xi32, #tpu.memory_space<vmem>> -> memref<8x128xi32, #tpu.memory_space<vmem>>
    %dma_start3A_35 = tpu.memref_slice %arg2[%multiple_of3A, %multiple_of3A_28] : memref<50x4096xi32, #tpu.memory_space<hbm>> -> memref<8x128xi32, #tpu.memory_space<hbm>>
    tpu.enqueue_dma source(%dma_start3A_35 : memref<8x128xi32, #tpu.memory_space<hbm>>) target(%dma_start3A_34 : memref<8x128xi32, #tpu.memory_space<vmem>>) target_semaphore(%arg11 : memref<!tpu.dma_semaphore, #tpu.memory_space<semaphore_mem>>)
    %mul3A_36 = arith.constant 6 : i32
    %mul3A_37 = arith.muli %mul3A_36, %add3A : i32
    %add3A_38 = arith.constant 1 : i32
    %add3A_39 = arith.addi %mul3A_37, %add3A_38 : i32
    %jit3A_40 = arith.constant 32 : i32
    %div3A_41 = arith.divsi %add3A_39, %jit3A_40 : i32
    %sign3A_42 = arith.constant 0 : i32
    %sign3A_43 = arith.cmpi sgt, %add3A_39, %sign3A_42 : i32
    %sign3A_44 = arith.extui %sign3A_43 : i1 to i32
    %sign3A_45 = arith.constant 0 : i32
    %sign3A_46 = arith.cmpi slt, %add3A_39, %sign3A_45 : i32
    %sign3A_47 = arith.extui %sign3A_46 : i1 to i32
    %sign3A_48 = arith.subi %sign3A_44, %sign3A_47 : i32
    %sign3A_49 = arith.constant 0 : i32
    %sign3A_50 = arith.cmpi sgt, %jit3A_40, %sign3A_49 : i32
    %sign3A_51 = arith.extui %sign3A_50 : i1 to i32
    %sign3A_52 = arith.constant 0 : i32
    %sign3A_53 = arith.cmpi slt, %jit3A_40, %sign3A_52 : i32
    %sign3A_54 = arith.extui %sign3A_53 : i1 to i32
    %sign3A_55 = arith.subi %sign3A_51, %sign3A_54 : i32
    %ne3A_56 = arith.cmpi ne, %sign3A_48, %sign3A_55 : i32
    %rem3A_57 = arith.remsi %add3A_39, %jit3A_40 : i32
    %ne3A_58 = arith.constant 0 : i32
    %ne3A_59 = arith.cmpi ne, %rem3A_57, %ne3A_58 : i32
    %and3A_60 = arith.andi %ne3A_56, %ne3A_59 : i1
    %sub3A_61 = arith.constant 1 : i32
    %sub3A_62 = arith.subi %div3A_41, %sub3A_61 : i32
    %select_n3A_63 = arith.select %and3A_60, %sub3A_62, %div3A_41 : i32
    %mul3A_64 = arith.constant 32 : i32
    %mul3A_65 = arith.muli %select_n3A_63, %mul3A_64 : i32
    %sub3A_66 = arith.subi %add3A_39, %mul3A_65 : i32
    %mul3A_67 = arith.constant 8 : i32
    %mul3A_68 = arith.muli %select_n3A_63, %mul3A_67 : i32
    %multiple_of3A_69 = tpu.assume_multiple %mul3A_68, 8 : i32
    %mul3A_70 = arith.constant 128 : i32
    %mul3A_71 = arith.muli %sub3A_66, %mul3A_70 : i32
    %multiple_of3A_72 = tpu.assume_multiple %mul3A_71, 128 : i32
    %dma_start3A_73 = arith.constant 8 : i32
    %dma_start3A_74 = arith.constant 0 : i32
    %dma_start3A_75 = tpu.memref_slice %arg5[%dma_start3A_73, %dma_start3A_74] : memref<50x128xi32, #tpu.memory_space<vmem>> -> memref<8x128xi32, #tpu.memory_space<vmem>>
    %dma_start3A_76 = tpu.memref_slice %arg2[%multiple_of3A_69, %multiple_of3A_72] : memref<50x4096xi32, #tpu.memory_space<hbm>> -> memref<8x128xi32, #tpu.memory_space<hbm>>
    %dma_start3A_77 = arith.constant 8 : i32
    %dma_start3A_78 = arith.constant 0 : i32
    %dma_start3A_79 = tpu.memref_slice %arg5[%dma_start3A_77, %dma_start3A_78] : memref<50x128xi32, #tpu.memory_space<vmem>> -> memref<8x128xi32, #tpu.memory_space<vmem>>
    %dma_start3A_80 = tpu.memref_slice %arg2[%multiple_of3A_69, %multiple_of3A_72] : memref<50x4096xi32, #tpu.memory_space<hbm>> -> memref<8x128xi32, #tpu.memory_space<hbm>>
    tpu.enqueue_dma source(%dma_start3A_80 : memref<8x128xi32, #tpu.memory_space<hbm>>) target(%dma_start3A_79 : memref<8x128xi32, #tpu.memory_space<vmem>>) target_semaphore(%arg12 : memref<!tpu.dma_semaphore, #tpu.memory_space<semaphore_mem>>)
    %mul3A_81 = arith.constant 6 : i32
    %mul3A_82 = arith.muli %mul3A_81, %add3A : i32
    %add3A_83 = arith.constant 2 : i32
    %add3A_84 = arith.addi %mul3A_82, %add3A_83 : i32
    %jit3A_85 = arith.constant 32 : i32
    %div3A_86 = arith.divsi %add3A_84, %jit3A_85 : i32
    %sign3A_87 = arith.constant 0 : i32
    %sign3A_88 = arith.cmpi sgt, %add3A_84, %sign3A_87 : i32
    %sign3A_89 = arith.extui %sign3A_88 : i1 to i32
    %sign3A_90 = arith.constant 0 : i32
    %sign3A_91 = arith.cmpi slt, %add3A_84, %sign3A_90 : i32
    %sign3A_92 = arith.extui %sign3A_91 : i1 to i32
    %sign3A_93 = arith.subi %sign3A_89, %sign3A_92 : i32
    %sign3A_94 = arith.constant 0 : i32
    %sign3A_95 = arith.cmpi sgt, %jit3A_85, %sign3A_94 : i32
    %sign3A_96 = arith.extui %sign3A_95 : i1 to i32
    %sign3A_97 = arith.constant 0 : i32
    %sign3A_98 = arith.cmpi slt, %jit3A_85, %sign3A_97 : i32
    %sign3A_99 = arith.extui %sign3A_98 : i1 to i32
    %sign3A_100 = arith.subi %sign3A_96, %sign3A_99 : i32
    %ne3A_101 = arith.cmpi ne, %sign3A_93, %sign3A_100 : i32
    %rem3A_102 = arith.remsi %add3A_84, %jit3A_85 : i32
    %ne3A_103 = arith.constant 0 : i32
    %ne3A_104 = arith.cmpi ne, %rem3A_102, %ne3A_103 : i32
    %and3A_105 = arith.andi %ne3A_101, %ne3A_104 : i1
    %sub3A_106 = arith.constant 1 : i32
    %sub3A_107 = arith.subi %div3A_86, %sub3A_106 : i32
    %select_n3A_108 = arith.select %and3A_105, %sub3A_107, %div3A_86 : i32
    %mul3A_109 = arith.constant 32 : i32
    %mul3A_110 = arith.muli %select_n3A_108, %mul3A_109 : i32
    %sub3A_111 = arith.subi %add3A_84, %mul3A_110 : i32
    %mul3A_112 = arith.constant 8 : i32
    %mul3A_113 = arith.muli %select_n3A_108, %mul3A_112 : i32
    %multiple_of3A_114 = tpu.assume_multiple %mul3A_113, 8 : i32
    %mul3A_115 = arith.constant 128 : i32
    %mul3A_116 = arith.muli %sub3A_111, %mul3A_115 : i32
    %multiple_of3A_117 = tpu.assume_multiple %mul3A_116, 128 : i32
    %dma_start3A_118 = arith.constant 16 : i32
    %dma_start3A_119 = arith.constant 0 : i32
    %dma_start3A_120 = tpu.memref_slice %arg5[%dma_start3A_118, %dma_start3A_119] : memref<50x128xi32, #tpu.memory_space<vmem>> -> memref<8x128xi32, #tpu.memory_space<vmem>>
    %dma_start3A_121 = tpu.memref_slice %arg2[%multiple_of3A_114, %multiple_of3A_117] : memref<50x4096xi32, #tpu.memory_space<hbm>> -> memref<8x128xi32, #tpu.memory_space<hbm>>
    %dma_start3A_122 = arith.constant 16 : i32
    %dma_start3A_123 = arith.constant 0 : i32
    %dma_start3A_124 = tpu.memref_slice %arg5[%dma_start3A_122, %dma_start3A_123] : memref<50x128xi32, #tpu.memory_space<vmem>> -> memref<8x128xi32, #tpu.memory_space<vmem>>
    %dma_start3A_125 = tpu.memref_slice %arg2[%multiple_of3A_114, %multiple_of3A_117] : memref<50x4096xi32, #tpu.memory_space<hbm>> -> memref<8x128xi32, #tpu.memory_space<hbm>>
    tpu.enqueue_dma source(%dma_start3A_125 : memref<8x128xi32, #tpu.memory_space<hbm>>) target(%dma_start3A_124 : memref<8x128xi32, #tpu.memory_space<vmem>>) target_semaphore(%arg12 : memref<!tpu.dma_semaphore, #tpu.memory_space<semaphore_mem>>)
    %mul3A_126 = arith.constant 6 : i32
    %mul3A_127 = arith.muli %mul3A_126, %add3A : i32
    %add3A_128 = arith.constant 3 : i32
    %add3A_129 = arith.addi %mul3A_127, %add3A_128 : i32
    %jit3A_130 = arith.constant 32 : i32
    %div3A_131 = arith.divsi %add3A_129, %jit3A_130 : i32
    %sign3A_132 = arith.constant 0 : i32
    %sign3A_133 = arith.cmpi sgt, %add3A_129, %sign3A_132 : i32
    %sign3A_134 = arith.extui %sign3A_133 : i1 to i32
    %sign3A_135 = arith.constant 0 : i32
    %sign3A_136 = arith.cmpi slt, %add3A_129, %sign3A_135 : i32
    %sign3A_137 = arith.extui %sign3A_136 : i1 to i32
    %sign3A_138 = arith.subi %sign3A_134, %sign3A_137 : i32
    %sign3A_139 = arith.constant 0 : i32
    %sign3A_140 = arith.cmpi sgt, %jit3A_130, %sign3A_139 : i32
    %sign3A_141 = arith.extui %sign3A_140 : i1 to i32
    %sign3A_142 = arith.constant 0 : i32
    %sign3A_143 = arith.cmpi slt, %jit3A_130, %sign3A_142 : i32
    %sign3A_144 = arith.extui %sign3A_143 : i1 to i32
    %sign3A_145 = arith.subi %sign3A_141, %sign3A_144 : i32
    %ne3A_146 = arith.cmpi ne, %sign3A_138, %sign3A_145 : i32
    %rem3A_147 = arith.remsi %add3A_129, %jit3A_130 : i32
    %ne3A_148 = arith.constant 0 : i32
    %ne3A_149 = arith.cmpi ne, %rem3A_147, %ne3A_148 : i32
    %and3A_150 = arith.andi %ne3A_146, %ne3A_149 : i1
    %sub3A_151 = arith.constant 1 : i32
    %sub3A_152 = arith.subi %div3A_131, %sub3A_151 : i32
    %select_n3A_153 = arith.select %and3A_150, %sub3A_152, %div3A_131 : i32
    %mul3A_154 = arith.constant 32 : i32
    %mul3A_155 = arith.muli %select_n3A_153, %mul3A_154 : i32
    %sub3A_156 = arith.subi %add3A_129, %mul3A_155 : i32
    %mul3A_157 = arith.constant 8 : i32
    %mul3A_158 = arith.muli %select_n3A_153, %mul3A_157 : i32
    %multiple_of3A_159 = tpu.assume_multiple %mul3A_158, 8 : i32
    %mul3A_160 = arith.constant 128 : i32
    %mul3A_161 = arith.muli %sub3A_156, %mul3A_160 : i32
    %multiple_of3A_162 = tpu.assume_multiple %mul3A_161, 128 : i32
    %dma_start3A_163 = arith.constant 24 : i32
    %dma_start3A_164 = arith.constant 0 : i32
    %dma_start3A_165 = tpu.memref_slice %arg5[%dma_start3A_163, %dma_start3A_164] : memref<50x128xi32, #tpu.memory_space<vmem>> -> memref<8x128xi32, #tpu.memory_space<vmem>>
    %dma_start3A_166 = tpu.memref_slice %arg2[%multiple_of3A_159, %multiple_of3A_162] : memref<50x4096xi32, #tpu.memory_space<hbm>> -> memref<8x128xi32, #tpu.memory_space<hbm>>
    %dma_start3A_167 = arith.constant 24 : i32
    %dma_start3A_168 = arith.constant 0 : i32
    %dma_start3A_169 = tpu.memref_slice %arg5[%dma_start3A_167, %dma_start3A_168] : memref<50x128xi32, #tpu.memory_space<vmem>> -> memref<8x128xi32, #tpu.memory_space<vmem>>
    %dma_start3A_170 = tpu.memref_slice %arg2[%multiple_of3A_159, %multiple_of3A_162] : memref<50x4096xi32, #tpu.memory_space<hbm>> -> memref<8x128xi32, #tpu.memory_space<hbm>>
    tpu.enqueue_dma source(%dma_start3A_170 : memref<8x128xi32, #tpu.memory_space<hbm>>) target(%dma_start3A_169 : memref<8x128xi32, #tpu.memory_space<vmem>>) target_semaphore(%arg12 : memref<!tpu.dma_semaphore, #tpu.memory_space<semaphore_mem>>)
    %mul3A_171 = arith.constant 6 : i32
    %mul3A_172 = arith.muli %mul3A_171, %add3A : i32
    %add3A_173 = arith.constant 4 : i32
    %add3A_174 = arith.addi %mul3A_172, %add3A_173 : i32
    %jit3A_175 = arith.constant 32 : i32
    %div3A_176 = arith.divsi %add3A_174, %jit3A_175 : i32
    %sign3A_177 = arith.constant 0 : i32
    %sign3A_178 = arith.cmpi sgt, %add3A_174, %sign3A_177 : i32
    %sign3A_179 = arith.extui %sign3A_178 : i1 to i32
    %sign3A_180 = arith.constant 0 : i32
    %sign3A_181 = arith.cmpi slt, %add3A_174, %sign3A_180 : i32
    %sign3A_182 = arith.extui %sign3A_181 : i1 to i32
    %sign3A_183 = arith.subi %sign3A_179, %sign3A_182 : i32
    %sign3A_184 = arith.constant 0 : i32
    %sign3A_185 = arith.cmpi sgt, %jit3A_175, %sign3A_184 : i32
    %sign3A_186 = arith.extui %sign3A_185 : i1 to i32
    %sign3A_187 = arith.constant 0 : i32
    %sign3A_188 = arith.cmpi slt, %jit3A_175, %sign3A_187 : i32
    %sign3A_189 = arith.extui %sign3A_188 : i1 to i32
    %sign3A_190 = arith.subi %sign3A_186, %sign3A_189 : i32
    %ne3A_191 = arith.cmpi ne, %sign3A_183, %sign3A_190 : i32
    %rem3A_192 = arith.remsi %add3A_174, %jit3A_175 : i32
    %ne3A_193 = arith.constant 0 : i32
    %ne3A_194 = arith.cmpi ne, %rem3A_192, %ne3A_193 : i32
    %and3A_195 = arith.andi %ne3A_191, %ne3A_194 : i1
    %sub3A_196 = arith.constant 1 : i32
    %sub3A_197 = arith.subi %div3A_176, %sub3A_196 : i32
    %select_n3A_198 = arith.select %and3A_195, %sub3A_197, %div3A_176 : i32
    %mul3A_199 = arith.constant 32 : i32
    %mul3A_200 = arith.muli %select_n3A_198, %mul3A_199 : i32
    %sub3A_201 = arith.subi %add3A_174, %mul3A_200 : i32
    %mul3A_202 = arith.constant 8 : i32
    %mul3A_203 = arith.muli %select_n3A_198, %mul3A_202 : i32
    %multiple_of3A_204 = tpu.assume_multiple %mul3A_203, 8 : i32
    %mul3A_205 = arith.constant 128 : i32
    %mul3A_206 = arith.muli %sub3A_201, %mul3A_205 : i32
    %multiple_of3A_207 = tpu.assume_multiple %mul3A_206, 128 : i32
    %dma_start3A_208 = arith.constant 32 : i32
    %dma_start3A_209 = arith.constant 0 : i32
    %dma_start3A_210 = tpu.memref_slice %arg5[%dma_start3A_208, %dma_start3A_209] : memref<50x128xi32, #tpu.memory_space<vmem>> -> memref<8x128xi32, #tpu.memory_space<vmem>>
    %dma_start3A_211 = tpu.memref_slice %arg2[%multiple_of3A_204, %multiple_of3A_207] : memref<50x4096xi32, #tpu.memory_space<hbm>> -> memref<8x128xi32, #tpu.memory_space<hbm>>
    %dma_start3A_212 = arith.constant 32 : i32
    %dma_start3A_213 = arith.constant 0 : i32
    %dma_start3A_214 = tpu.memref_slice %arg5[%dma_start3A_212, %dma_start3A_213] : memref<50x128xi32, #tpu.memory_space<vmem>> -> memref<8x128xi32, #tpu.memory_space<vmem>>
    %dma_start3A_215 = tpu.memref_slice %arg2[%multiple_of3A_204, %multiple_of3A_207] : memref<50x4096xi32, #tpu.memory_space<hbm>> -> memref<8x128xi32, #tpu.memory_space<hbm>>
    tpu.enqueue_dma source(%dma_start3A_215 : memref<8x128xi32, #tpu.memory_space<hbm>>) target(%dma_start3A_214 : memref<8x128xi32, #tpu.memory_space<vmem>>) target_semaphore(%arg12 : memref<!tpu.dma_semaphore, #tpu.memory_space<semaphore_mem>>)
    %mul3A_216 = arith.constant 6 : i32
    %mul3A_217 = arith.muli %mul3A_216, %add3A : i32
    %add3A_218 = arith.constant 5 : i32
    %add3A_219 = arith.addi %mul3A_217, %add3A_218 : i32
    %jit3A_220 = arith.constant 32 : i32
    %div3A_221 = arith.divsi %add3A_219, %jit3A_220 : i32
    %sign3A_222 = arith.constant 0 : i32
    %sign3A_223 = arith.cmpi sgt, %add3A_219, %sign3A_222 : i32
    %sign3A_224 = arith.extui %sign3A_223 : i1 to i32
    %sign3A_225 = arith.constant 0 : i32
    %sign3A_226 = arith.cmpi slt, %add3A_219, %sign3A_225 : i32
    %sign3A_227 = arith.extui %sign3A_226 : i1 to i32
    %sign3A_228 = arith.subi %sign3A_224, %sign3A_227 : i32
    %sign3A_229 = arith.constant 0 : i32
    %sign3A_230 = arith.cmpi sgt, %jit3A_220, %sign3A_229 : i32
    %sign3A_231 = arith.extui %sign3A_230 : i1 to i32
    %sign3A_232 = arith.constant 0 : i32
    %sign3A_233 = arith.cmpi slt, %jit3A_220, %sign3A_232 : i32
    %sign3A_234 = arith.extui %sign3A_233 : i1 to i32
    %sign3A_235 = arith.subi %sign3A_231, %sign3A_234 : i32
    %ne3A_236 = arith.cmpi ne, %sign3A_228, %sign3A_235 : i32
    %rem3A_237 = arith.remsi %add3A_219, %jit3A_220 : i32
    %ne3A_238 = arith.constant 0 : i32
    %ne3A_239 = arith.cmpi ne, %rem3A_237, %ne3A_238 : i32
    %and3A_240 = arith.andi %ne3A_236, %ne3A_239 : i1
    %sub3A_241 = arith.constant 1 : i32
    %sub3A_242 = arith.subi %div3A_221, %sub3A_241 : i32
    %select_n3A_243 = arith.select %and3A_240, %sub3A_242, %div3A_221 : i32
    %mul3A_244 = arith.constant 32 : i32
    %mul3A_245 = arith.muli %select_n3A_243, %mul3A_244 : i32
    %sub3A_246 = arith.subi %add3A_219, %mul3A_245 : i32
    %mul3A_247 = arith.constant 8 : i32
    %mul3A_248 = arith.muli %select_n3A_243, %mul3A_247 : i32
    %multiple_of3A_249 = tpu.assume_multiple %mul3A_248, 8 : i32
    %mul3A_250 = arith.constant 128 : i32
    %mul3A_251 = arith.muli %sub3A_246, %mul3A_250 : i32
    %multiple_of3A_252 = tpu.assume_multiple %mul3A_251, 128 : i32
    %dma_start3A_253 = arith.constant 40 : i32
    %dma_start3A_254 = arith.constant 0 : i32
    %dma_start3A_255 = tpu.memref_slice %arg5[%dma_start3A_253, %dma_start3A_254] : memref<50x128xi32, #tpu.memory_space<vmem>> -> memref<8x128xi32, #tpu.memory_space<vmem>>
    %dma_start3A_256 = tpu.memref_slice %arg2[%multiple_of3A_249, %multiple_of3A_252] : memref<50x4096xi32, #tpu.memory_space<hbm>> -> memref<8x128xi32, #tpu.memory_space<hbm>>
    %dma_start3A_257 = arith.constant 40 : i32
    %dma_start3A_258 = arith.constant 0 : i32
    %dma_start3A_259 = tpu.memref_slice %arg5[%dma_start3A_257, %dma_start3A_258] : memref<50x128xi32, #tpu.memory_space<vmem>> -> memref<8x128xi32, #tpu.memory_space<vmem>>
    %dma_start3A_260 = tpu.memref_slice %arg2[%multiple_of3A_249, %multiple_of3A_252] : memref<50x4096xi32, #tpu.memory_space<hbm>> -> memref<8x128xi32, #tpu.memory_space<hbm>>
    tpu.enqueue_dma source(%dma_start3A_260 : memref<8x128xi32, #tpu.memory_space<hbm>>) target(%dma_start3A_259 : memref<8x128xi32, #tpu.memory_space<vmem>>) target_semaphore(%arg12 : memref<!tpu.dma_semaphore, #tpu.memory_space<semaphore_mem>>)
    %mul3A_261 = arith.constant 128 : i32
    %mul3A_262 = arith.muli %add3A, %mul3A_261 : i32
    %multiple_of3A_263 = tpu.assume_multiple %mul3A_262, 128 : i32
    %dma_start3A_264 = arith.constant 48 : i32
    %dma_start3A_265 = arith.constant 0 : i32
    %dma_start3A_266 = tpu.memref_slice %arg5[%dma_start3A_264, %dma_start3A_265] : memref<50x128xi32, #tpu.memory_space<vmem>> -> memref<2x128xi32, #tpu.memory_space<vmem>>
    %dma_start3A_267 = arith.constant 48 : i32
    %dma_start3A_268 = tpu.memref_slice %arg2[%dma_start3A_267, %multiple_of3A_263] : memref<50x4096xi32, #tpu.memory_space<hbm>> -> memref<2x128xi32, #tpu.memory_space<hbm>>
    %dma_start3A_269 = arith.constant 48 : i32
    %dma_start3A_270 = arith.constant 0 : i32
    %dma_start3A_271 = tpu.memref_slice %arg5[%dma_start3A_269, %dma_start3A_270] : memref<50x128xi32, #tpu.memory_space<vmem>> -> memref<2x128xi32, #tpu.memory_space<vmem>>
    %dma_start3A_272 = arith.constant 48 : i32
    %dma_start3A_273 = tpu.memref_slice %arg2[%dma_start3A_272, %multiple_of3A_263] : memref<50x4096xi32, #tpu.memory_space<hbm>> -> memref<2x128xi32, #tpu.memory_space<hbm>>
    tpu.enqueue_dma source(%dma_start3A_273 : memref<2x128xi32, #tpu.memory_space<hbm>>) target(%dma_start3A_271 : memref<2x128xi32, #tpu.memory_space<vmem>>) target_semaphore(%arg12 : memref<!tpu.dma_semaphore, #tpu.memory_space<semaphore_mem>>)
    %dma_wait3A = arith.constant 0 : i32
    %dma_wait3A_274 = arith.constant 0 : i32
    %dma_wait3A_275 = tpu.memref_slice %arg5[%dma_wait3A, %dma_wait3A_274] : memref<50x128xi32, #tpu.memory_space<vmem>> -> memref<8x128xi32, #tpu.memory_space<vmem>>
    %dma_wait3A_276 = arith.constant 0 : i32
    %dma_wait3A_277 = arith.constant 0 : i32
    %dma_wait3A_278 = tpu.memref_slice %arg2[%dma_wait3A_276, %dma_wait3A_277] : memref<50x4096xi32, #tpu.memory_space<hbm>> -> memref<8x128xi32, #tpu.memory_space<hbm>>
    %dma_wait3A_279 = arith.constant 0 : i32
    %dma_wait3A_280 = arith.constant 0 : i32
    %dma_wait3A_281 = tpu.memref_slice %arg5[%dma_wait3A_279, %dma_wait3A_280] : memref<50x128xi32, #tpu.memory_space<vmem>> -> memref<8x128xi32, #tpu.memory_space<vmem>>
    %dma_wait3A_282 = arith.constant 0 : i32
    %dma_wait3A_283 = arith.constant 0 : i32
    %dma_wait3A_284 = tpu.memref_slice %arg2[%dma_wait3A_282, %dma_wait3A_283] : memref<50x4096xi32, #tpu.memory_space<hbm>> -> memref<8x128xi32, #tpu.memory_space<hbm>>
    tpu.wait_dma2 semaphore(%arg11 : memref<!tpu.dma_semaphore, #tpu.memory_space<semaphore_mem>>) src(%dma_wait3A_284 : memref<8x128xi32, #tpu.memory_space<hbm>>) dst(%dma_wait3A_281 : memref<8x128xi32, #tpu.memory_space<vmem>>)
    %get3A = arith.constant 0 : i32
    %get3A_285 = arith.index_cast %get3A : i32 to index
    %get3A_286 = arith.constant 0 : index
    %get3A_287 = tpu.vector_load %arg5[%get3A_285, %get3A_286] {strides = array<i32>} : memref<50x128xi32, #tpu.memory_space<vmem>>, vector<1x50xi32>,
    %get3A_288 = vector.shape_cast %get3A_287 : vector<1x50xi32> to vector<50xi32>
    %sub3A_289 = arith.constant 30522 : i32
    %sub3A_290 = vector.broadcast %sub3A_289 : i32 to vector<50xi32>
    %sub3A_291 = arith.subi %get3A_288, %sub3A_290 : vector<50xi32>
    %swap3A = arith.constant 0 : i32
    %swap3A_292 = arith.index_cast %swap3A : i32 to index
    %swap3A_293 = arith.constant 0 : index
    %swap3A_294 = tpu.vector_load %arg5[%swap3A_292, %swap3A_293] {strides = array<i32>} : memref<50x128xi32, #tpu.memory_space<vmem>>, vector<1x50xi32>,
    %swap3A_295 = vector.shape_cast %swap3A_294 : vector<1x50xi32> to vector<50xi32>
    %swap3A_296 = vector.shape_cast %sub3A_291 : vector<50xi32> to vector<1x50xi32>
    tpu.vector_store %arg5[%swap3A_292, %swap3A_293], %swap3A_296 {strides = array<i32>} : memref<50x128xi32, #tpu.memory_space<vmem>>, vector<1x50xi32>,
    %get3A_297 = arith.constant 0 : i32
    %get3A_298 = arith.index_cast %get3A_297 : i32 to index
    %get3A_299 = arith.constant 50 : index
    %get3A_300 = tpu.vector_load %arg5[%get3A_298, %get3A_299] {strides = array<i32>} : memref<50x128xi32, #tpu.memory_space<vmem>>, vector<1x50xi32>,
    %get3A_301 = vector.shape_cast %get3A_300 : vector<1x50xi32> to vector<50xi32>
    %sub3A_302 = arith.constant 30522 : i32
    %sub3A_303 = vector.broadcast %sub3A_302 : i32 to vector<50xi32>
    %sub3A_304 = arith.subi %get3A_301, %sub3A_303 : vector<50xi32>
    %swap3A_305 = arith.constant 0 : i32
    %swap3A_306 = arith.index_cast %swap3A_305 : i32 to index
    %swap3A_307 = arith.constant 50 : index
    %swap3A_308 = tpu.vector_load %arg5[%swap3A_306, %swap3A_307] {strides = array<i32>} : memref<50x128xi32, #tpu.memory_space<vmem>>, vector<1x50xi32>,
    %swap3A_309 = vector.shape_cast %swap3A_308 : vector<1x50xi32> to vector<50xi32>
    %swap3A_310 = vector.shape_cast %sub3A_304 : vector<50xi32> to vector<1x50xi32>
    tpu.vector_store %arg5[%swap3A_306, %swap3A_307], %swap3A_310 {strides = array<i32>} : memref<50x128xi32, #tpu.memory_space<vmem>>, vector<1x50xi32>,
    %dma_start3A_311 = arith.constant 0 : i32
    %dma_start3A_312 = arith.constant 0 : i32
    %dma_start3A_313 = tpu.memref_slice %arg5[%dma_start3A_311, %dma_start3A_312] : memref<50x128xi32, #tpu.memory_space<vmem>> -> memref<1x128xi32, #tpu.memory_space<vmem>>
    %dma_start3A_314 = tpu.memref_squeeze %dma_start3A_313 : memref<1x128xi32, #tpu.memory_space<vmem>> -> memref<128xi32, #tpu.memory_space<vmem>>
    %dma_start3A_315 = arith.constant 0 : i32
    %dma_start3A_316 = arith.constant 0 : i32
    %dma_start3A_317 = tpu.memref_slice %arg3[%dma_start3A_315, %dma_start3A_316] : memref<100000x128xf32, #tpu.memory_space<hbm>> -> memref<100000x128xf32, #tpu.memory_space<hbm>>
    tpu.enqueue_indirect_dma source(%dma_start3A_317 : memref<100000x128xf32, #tpu.memory_space<hbm>>) target(%arg6 : memref<128x128xf32, #tpu.memory_space<vmem>>) offsets(%dma_start3A_314 : memref<128xi32, #tpu.memory_space<vmem>>) semaphore(%arg13 : memref<!tpu.dma_semaphore, #tpu.memory_space<semaphore_mem>>)
    %get3A_318 = arith.constant 1 : i32
    %get3A_319 = arith.index_cast %get3A_318 : i32 to index
    %get3A_320 = arith.constant 0 : index
    %get3A_321 = tpu.vector_load %arg5[%get3A_319, %get3A_320] {strides = array<i32>} : memref<50x128xi32, #tpu.memory_space<vmem>>, vector<1x50xi32>,
    %get3A_322 = vector.shape_cast %get3A_321 : vector<1x50xi32> to vector<50xi32>
    %sub3A_323 = arith.constant 30522 : i32
    %sub3A_324 = vector.broadcast %sub3A_323 : i32 to vector<50xi32>
    %sub3A_325 = arith.subi %get3A_322, %sub3A_324 : vector<50xi32>
    %swap3A_326 = arith.constant 1 : i32
    %swap3A_327 = arith.index_cast %swap3A_326 : i32 to index
    %swap3A_328 = arith.constant 0 : index
    %swap3A_329 = tpu.vector_load %arg5[%swap3A_327, %swap3A_328] {strides = array<i32>} : memref<50x128xi32, #tpu.memory_space<vmem>>, vector<1x50xi32>,
    %swap3A_330 = vector.shape_cast %swap3A_329 : vector<1x50xi32> to vector<50xi32>
    %swap3A_331 = vector.shape_cast %sub3A_325 : vector<50xi32> to vector<1x50xi32>
    tpu.vector_store %arg5[%swap3A_327, %swap3A_328], %swap3A_331 {strides = array<i32>} : memref<50x128xi32, #tpu.memory_space<vmem>>, vector<1x50xi32>,
    %get3A_332 = arith.constant 1 : i32
    %get3A_333 = arith.index_cast %get3A_332 : i32 to index
    %get3A_334 = arith.constant 50 : index
    %get3A_335 = tpu.vector_load %arg5[%get3A_333, %get3A_334] {strides = array<i32>} : memref<50x128xi32, #tpu.memory_space<vmem>>, vector<1x50xi32>,
    %get3A_336 = vector.shape_cast %get3A_335 : vector<1x50xi32> to vector<50xi32>
    %sub3A_337 = arith.constant 30522 : i32
    %sub3A_338 = vector.broadcast %sub3A_337 : i32 to vector<50xi32>
    %sub3A_339 = arith.subi %get3A_336, %sub3A_338 : vector<50xi32>
    %swap3A_340 = arith.constant 1 : i32
    %swap3A_341 = arith.index_cast %swap3A_340 : i32 to index
    %swap3A_342 = arith.constant 50 : index
    %swap3A_343 = tpu.vector_load %arg5[%swap3A_341, %swap3A_342] {strides = array<i32>} : memref<50x128xi32, #tpu.memory_space<vmem>>, vector<1x50xi32>,
    %swap3A_344 = vector.shape_cast %swap3A_343 : vector<1x50xi32> to vector<50xi32>
    %swap3A_345 = vector.shape_cast %sub3A_339 : vector<50xi32> to vector<1x50xi32>
    tpu.vector_store %arg5[%swap3A_341, %swap3A_342], %swap3A_345 {strides = array<i32>} : memref<50x128xi32, #tpu.memory_space<vmem>>, vector<1x50xi32>,
    %dma_start3A_346 = arith.constant 1 : i32
    %dma_start3A_347 = arith.constant 0 : i32
    %dma_start3A_348 = tpu.memref_slice %arg5[%dma_start3A_346, %dma_start3A_347] : memref<50x128xi32, #tpu.memory_space<vmem>> -> memref<1x128xi32, #tpu.memory_space<vmem>>
    %dma_start3A_349 = tpu.memref_squeeze %dma_start3A_348 : memref<1x128xi32, #tpu.memory_space<vmem>> -> memref<128xi32, #tpu.memory_space<vmem>>
    %dma_start3A_350 = arith.constant 0 : i32
    %dma_start3A_351 = arith.constant 0 : i32
    %dma_start3A_352 = tpu.memref_slice %arg3[%dma_start3A_350, %dma_start3A_351] : memref<100000x128xf32, #tpu.memory_space<hbm>> -> memref<100000x128xf32, #tpu.memory_space<hbm>>
    tpu.enqueue_indirect_dma source(%dma_start3A_352 : memref<100000x128xf32, #tpu.memory_space<hbm>>) target(%arg7 : memref<128x128xf32, #tpu.memory_space<vmem>>) offsets(%dma_start3A_349 : memref<128xi32, #tpu.memory_space<vmem>>) semaphore(%arg14 : memref<!tpu.dma_semaphore, #tpu.memory_space<semaphore_mem>>)
    %get3A_353 = arith.constant 2 : i32
    %get3A_354 = arith.index_cast %get3A_353 : i32 to index
    %get3A_355 = arith.constant 0 : index
    %get3A_356 = tpu.vector_load %arg5[%get3A_354, %get3A_355] {strides = array<i32>} : memref<50x128xi32, #tpu.memory_space<vmem>>, vector<1x50xi32>,
    %get3A_357 = vector.shape_cast %get3A_356 : vector<1x50xi32> to vector<50xi32>
    %sub3A_358 = arith.constant 30522 : i32
    %sub3A_359 = vector.broadcast %sub3A_358 : i32 to vector<50xi32>
    %sub3A_360 = arith.subi %get3A_357, %sub3A_359 : vector<50xi32>
    %swap3A_361 = arith.constant 2 : i32
    %swap3A_362 = arith.index_cast %swap3A_361 : i32 to index
    %swap3A_363 = arith.constant 0 : index
    %swap3A_364 = tpu.vector_load %arg5[%swap3A_362, %swap3A_363] {strides = array<i32>} : memref<50x128xi32, #tpu.memory_space<vmem>>, vector<1x50xi32>,
    %swap3A_365 = vector.shape_cast %swap3A_364 : vector<1x50xi32> to vector<50xi32>
    %swap3A_366 = vector.shape_cast %sub3A_360 : vector<50xi32> to vector<1x50xi32>
    tpu.vector_store %arg5[%swap3A_362, %swap3A_363], %swap3A_366 {strides = array<i32>} : memref<50x128xi32, #tpu.memory_space<vmem>>, vector<1x50xi32>,
    %get3A_367 = arith.constant 2 : i32
    %get3A_368 = arith.index_cast %get3A_367 : i32 to index
    %get3A_369 = arith.constant 50 : index
    %get3A_370 = tpu.vector_load %arg5[%get3A_368, %get3A_369] {strides = array<i32>} : memref<50x128xi32, #tpu.memory_space<vmem>>, vector<1x50xi32>,
    %get3A_371 = vector.shape_cast %get3A_370 : vector<1x50xi32> to vector<50xi32>
    %sub3A_372 = arith.constant 30522 : i32
    %sub3A_373 = vector.broadcast %sub3A_372 : i32 to vector<50xi32>
    %sub3A_374 = arith.subi %get3A_371, %sub3A_373 : vector<50xi32>
    %swap3A_375 = arith.constant 2 : i32
    %swap3A_376 = arith.index_cast %swap3A_375 : i32 to index
    %swap3A_377 = arith.constant 50 : index
    %swap3A_378 = tpu.vector_load %arg5[%swap3A_376, %swap3A_377] {strides = array<i32>} : memref<50x128xi32, #tpu.memory_space<vmem>>, vector<1x50xi32>,
    %swap3A_379 = vector.shape_cast %swap3A_378 : vector<1x50xi32> to vector<50xi32>
    %swap3A_380 = vector.shape_cast %sub3A_374 : vector<50xi32> to vector<1x50xi32>
    tpu.vector_store %arg5[%swap3A_376, %swap3A_377], %swap3A_380 {strides = array<i32>} : memref<50x128xi32, #tpu.memory_space<vmem>>, vector<1x50xi32>,
    %dma_start3A_381 = arith.constant 2 : i32
    %dma_start3A_382 = arith.constant 0 : i32
    %dma_start3A_383 = tpu.memref_slice %arg5[%dma_start3A_381, %dma_start3A_382] : memref<50x128xi32, #tpu.memory_space<vmem>> -> memref<1x128xi32, #tpu.memory_space<vmem>>
    %dma_start3A_384 = tpu.memref_squeeze %dma_start3A_383 : memref<1x128xi32, #tpu.memory_space<vmem>> -> memref<128xi32, #tpu.memory_space<vmem>>
    %dma_start3A_385 = arith.constant 0 : i32
    %dma_start3A_386 = arith.constant 0 : i32
    %dma_start3A_387 = tpu.memref_slice %arg3[%dma_start3A_385, %dma_start3A_386] : memref<100000x128xf32, #tpu.memory_space<hbm>> -> memref<100000x128xf32, #tpu.memory_space<hbm>>
    tpu.enqueue_indirect_dma source(%dma_start3A_387 : memref<100000x128xf32, #tpu.memory_space<hbm>>) target(%arg8 : memref<128x128xf32, #tpu.memory_space<vmem>>) offsets(%dma_start3A_384 : memref<128xi32, #tpu.memory_space<vmem>>) semaphore(%arg15 : memref<!tpu.dma_semaphore, #tpu.memory_space<semaphore_mem>>)
    %dma_wait3A_388 = arith.constant 0 : i32
    %dma_wait3A_389 = arith.constant 0 : i32
    %dma_wait3A_390 = tpu.memref_slice %arg3[%dma_wait3A_388, %dma_wait3A_389] : memref<100000x128xf32, #tpu.memory_space<hbm>> -> memref<128x128xf32, #tpu.memory_space<hbm>>
    %dma_wait3A_391 = arith.constant 0 : i32
    %dma_wait3A_392 = arith.constant 0 : i32
    %dma_wait3A_393 = tpu.memref_slice %arg3[%dma_wait3A_391, %dma_wait3A_392] : memref<100000x128xf32, #tpu.memory_space<hbm>> -> memref<128x128xf32, #tpu.memory_space<hbm>>
    tpu.wait_dma2 semaphore(%arg13 : memref<!tpu.dma_semaphore, #tpu.memory_space<semaphore_mem>>) src(%dma_wait3A_393 : memref<128x128xf32, #tpu.memory_space<hbm>>) dst(%arg6 : memref<128x128xf32, #tpu.memory_space<vmem>>)
    %mul3A_394 = arith.constant 6 : i32
    %mul3A_395 = arith.muli %mul3A_394, %add3A : i32
    %add3A_396 = arith.constant 0 : i32
    %add3A_397 = arith.addi %mul3A_395, %add3A_396 : i32
    %jit3A_398 = arith.constant 32 : i32
    %div3A_399 = arith.divsi %add3A_397, %jit3A_398 : i32
    %sign3A_400 = arith.constant 0 : i32
    %sign3A_401 = arith.cmpi sgt, %add3A_397, %sign3A_400 : i32
    %sign3A_402 = arith.extui %sign3A_401 : i1 to i32
    %sign3A_403 = arith.constant 0 : i32
    %sign3A_404 = arith.cmpi slt, %add3A_397, %sign3A_403 : i32
    %sign3A_405 = arith.extui %sign3A_404 : i1 to i32
    %sign3A_406 = arith.subi %sign3A_402, %sign3A_405 : i32
    %sign3A_407 = arith.constant 0 : i32
    %sign3A_408 = arith.cmpi sgt, %jit3A_398, %sign3A_407 : i32
    %sign3A_409 = arith.extui %sign3A_408 : i1 to i32
    %sign3A_410 = arith.constant 0 : i32
    %sign3A_411 = arith.cmpi slt, %jit3A_398, %sign3A_410 : i32
    %sign3A_412 = arith.extui %sign3A_411 : i1 to i32
    %sign3A_413 = arith.subi %sign3A_409, %sign3A_412 : i32
    %ne3A_414 = arith.cmpi ne, %sign3A_406, %sign3A_413 : i32
    %rem3A_415 = arith.remsi %add3A_397, %jit3A_398 : i32
    %ne3A_416 = arith.constant 0 : i32
    %ne3A_417 = arith.cmpi ne, %rem3A_415, %ne3A_416 : i32
    %and3A_418 = arith.andi %ne3A_414, %ne3A_417 : i1
    %sub3A_419 = arith.constant 1 : i32
    %sub3A_420 = arith.subi %div3A_399, %sub3A_419 : i32
    %select_n3A_421 = arith.select %and3A_418, %sub3A_420, %div3A_399 : i32
    %mul3A_422 = arith.constant 32 : i32
    %mul3A_423 = arith.muli %select_n3A_421, %mul3A_422 : i32
    %sub3A_424 = arith.subi %add3A_397, %mul3A_423 : i32
    %mul3A_425 = arith.constant 8 : i32
    %mul3A_426 = arith.muli %select_n3A_421, %mul3A_425 : i32
    %add3A_427 = arith.constant 0 : i32
    %add3A_428 = arith.addi %mul3A_426, %add3A_427 : i32
    %mul3A_429 = arith.constant 4096 : i32
    %mul3A_430 = arith.muli %add3A_428, %mul3A_429 : i32
    %mul3A_431 = arith.constant 128 : i32
    %mul3A_432 = arith.muli %sub3A_424, %mul3A_431 : i32
    %add3A_433 = arith.addi %mul3A_430, %mul3A_432 : i32
    %multiple_of3A_434 = tpu.assume_multiple %add3A_433, 8 : i32
    %dma_start3A_435 = arith.constant 0 : i32
    %dma_start3A_436 = tpu.memref_slice %arg4[%multiple_of3A_434, %dma_start3A_435] : memref<204800x128xf32, #tpu.memory_space<hbm>> -> memref<128x128xf32, #tpu.memory_space<hbm>>
    %dma_start3A_437 = arith.constant 0 : i32
    %dma_start3A_438 = tpu.memref_slice %arg4[%multiple_of3A_434, %dma_start3A_437] : memref<204800x128xf32, #tpu.memory_space<hbm>> -> memref<128x128xf32, #tpu.memory_space<hbm>>
    tpu.enqueue_dma source(%arg6 : memref<128x128xf32, #tpu.memory_space<vmem>>) target(%dma_start3A_438 : memref<128x128xf32, #tpu.memory_space<hbm>>) target_semaphore(%arg18 : memref<!tpu.dma_semaphore, #tpu.memory_space<semaphore_mem>>)
    %get3A_439 = arith.constant 3 : i32
    %get3A_440 = arith.index_cast %get3A_439 : i32 to index
    %get3A_441 = arith.constant 0 : index
    %get3A_442 = tpu.vector_load %arg5[%get3A_440, %get3A_441] {strides = array<i32>} : memref<50x128xi32, #tpu.memory_space<vmem>>, vector<1x50xi32>,
    %get3A_443 = vector.shape_cast %get3A_442 : vector<1x50xi32> to vector<50xi32>
    %sub3A_444 = arith.constant 30522 : i32
    %sub3A_445 = vector.broadcast %sub3A_444 : i32 to vector<50xi32>
    %sub3A_446 = arith.subi %get3A_443, %sub3A_445 : vector<50xi32>
    %swap3A_447 = arith.constant 3 : i32
    %swap3A_448 = arith.index_cast %swap3A_447 : i32 to index
    %swap3A_449 = arith.constant 0 : index
    %swap3A_450 = tpu.vector_load %arg5[%swap3A_448, %swap3A_449] {strides = array<i32>} : memref<50x128xi32, #tpu.memory_space<vmem>>, vector<1x50xi32>,
    %swap3A_451 = vector.shape_cast %swap3A_450 : vector<1x50xi32> to vector<50xi32>
    %swap3A_452 = vector.shape_cast %sub3A_446 : vector<50xi32> to vector<1x50xi32>
    tpu.vector_store %arg5[%swap3A_448, %swap3A_449], %swap3A_452 {strides = array<i32>} : memref<50x128xi32, #tpu.memory_space<vmem>>, vector<1x50xi32>,
    %get3A_453 = arith.constant 3 : i32
    %get3A_454 = arith.index_cast %get3A_453 : i32 to index
    %get3A_455 = arith.constant 50 : index
    %get3A_456 = tpu.vector_load %arg5[%get3A_454, %get3A_455] {strides = array<i32>} : memref<50x128xi32, #tpu.memory_space<vmem>>, vector<1x50xi32>,
    %get3A_457 = vector.shape_cast %get3A_456 : vector<1x50xi32> to vector<50xi32>
    %sub3A_458 = arith.constant 30522 : i32
    %sub3A_459 = vector.broadcast %sub3A_458 : i32 to vector<50xi32>
    %sub3A_460 = arith.subi %get3A_457, %sub3A_459 : vector<50xi32>
    %swap3A_461 = arith.constant 3 : i32
    %swap3A_462 = arith.index_cast %swap3A_461 : i32 to index
    %swap3A_463 = arith.constant 50 : index
    %swap3A_464 = tpu.vector_load %arg5[%swap3A_462, %swap3A_463] {strides = array<i32>} : memref<50x128xi32, #tpu.memory_space<vmem>>, vector<1x50xi32>,
    %swap3A_465 = vector.shape_cast %swap3A_464 : vector<1x50xi32> to vector<50xi32>
    %swap3A_466 = vector.shape_cast %sub3A_460 : vector<50xi32> to vector<1x50xi32>
    tpu.vector_store %arg5[%swap3A_462, %swap3A_463], %swap3A_466 {strides = array<i32>} : memref<50x128xi32, #tpu.memory_space<vmem>>, vector<1x50xi32>,
    %dma_start3A_467 = arith.constant 3 : i32
    %dma_start3A_468 = arith.constant 0 : i32
    %dma_start3A_469 = tpu.memref_slice %arg5[%dma_start3A_467, %dma_start3A_468] : memref<50x128xi32, #tpu.memory_space<vmem>> -> memref<1x128xi32, #tpu.memory_space<vmem>>
    %dma_start3A_470 = tpu.memref_squeeze %dma_start3A_469 : memref<1x128xi32, #tpu.memory_space<vmem>> -> memref<128xi32, #tpu.memory_space<vmem>>
    %dma_start3A_471 = arith.constant 0 : i32
    %dma_start3A_472 = arith.constant 0 : i32
    %dma_start3A_473 = tpu.memref_slice %arg3[%dma_start3A_471, %dma_start3A_472] : memref<100000x128xf32, #tpu.memory_space<hbm>> -> memref<100000x128xf32, #tpu.memory_space<hbm>>
    tpu.enqueue_indirect_dma source(%dma_start3A_473 : memref<100000x128xf32, #tpu.memory_space<hbm>>) target(%arg9 : memref<128x128xf32, #tpu.memory_space<vmem>>) offsets(%dma_start3A_470 : memref<128xi32, #tpu.memory_space<vmem>>) semaphore(%arg16 : memref<!tpu.dma_semaphore, #tpu.memory_space<semaphore_mem>>)
    %dma_wait3A_474 = arith.constant 0 : i32
    %dma_wait3A_475 = arith.constant 0 : i32
    %dma_wait3A_476 = tpu.memref_slice %arg3[%dma_wait3A_474, %dma_wait3A_475] : memref<100000x128xf32, #tpu.memory_space<hbm>> -> memref<128x128xf32, #tpu.memory_space<hbm>>
    %dma_wait3A_477 = arith.constant 0 : i32
    %dma_wait3A_478 = arith.constant 0 : i32
    %dma_wait3A_479 = tpu.memref_slice %arg3[%dma_wait3A_477, %dma_wait3A_478] : memref<100000x128xf32, #tpu.memory_space<hbm>> -> memref<128x128xf32, #tpu.memory_space<hbm>>
    tpu.wait_dma2 semaphore(%arg14 : memref<!tpu.dma_semaphore, #tpu.memory_space<semaphore_mem>>) src(%dma_wait3A_479 : memref<128x128xf32, #tpu.memory_space<hbm>>) dst(%arg7 : memref<128x128xf32, #tpu.memory_space<vmem>>)
    %mul3A_480 = arith.constant 6 : i32
    %mul3A_481 = arith.muli %mul3A_480, %add3A : i32
    %add3A_482 = arith.constant 0 : i32
    %add3A_483 = arith.addi %mul3A_481, %add3A_482 : i32
    %jit3A_484 = arith.constant 32 : i32
    %div3A_485 = arith.divsi %add3A_483, %jit3A_484 : i32
    %sign3A_486 = arith.constant 0 : i32
    %sign3A_487 = arith.cmpi sgt, %add3A_483, %sign3A_486 : i32
    %sign3A_488 = arith.extui %sign3A_487 : i1 to i32
    %sign3A_489 = arith.constant 0 : i32
    %sign3A_490 = arith.cmpi slt, %add3A_483, %sign3A_489 : i32
    %sign3A_491 = arith.extui %sign3A_490 : i1 to i32
    %sign3A_492 = arith.subi %sign3A_488, %sign3A_491 : i32
    %sign3A_493 = arith.constant 0 : i32
    %sign3A_494 = arith.cmpi sgt, %jit3A_484, %sign3A_493 : i32
    %sign3A_495 = arith.extui %sign3A_494 : i1 to i32
    %sign3A_496 = arith.constant 0 : i32
    %sign3A_497 = arith.cmpi slt, %jit3A_484, %sign3A_496 : i32
    %sign3A_498 = arith.extui %sign3A_497 : i1 to i32
    %sign3A_499 = arith.subi %sign3A_495, %sign3A_498 : i32
    %ne3A_500 = arith.cmpi ne, %sign3A_492, %sign3A_499 : i32
    %rem3A_501 = arith.remsi %add3A_483, %jit3A_484 : i32
    %ne3A_502 = arith.constant 0 : i32
    %ne3A_503 = arith.cmpi ne, %rem3A_501, %ne3A_502 : i32
    %and3A_504 = arith.andi %ne3A_500, %ne3A_503 : i1
    %sub3A_505 = arith.constant 1 : i32
    %sub3A_506 = arith.subi %div3A_485, %sub3A_505 : i32
    %select_n3A_507 = arith.select %and3A_504, %sub3A_506, %div3A_485 : i32
    %mul3A_508 = arith.constant 32 : i32
    %mul3A_509 = arith.muli %select_n3A_507, %mul3A_508 : i32
    %sub3A_510 = arith.subi %add3A_483, %mul3A_509 : i32
    %mul3A_511 = arith.constant 8 : i32
    %mul3A_512 = arith.muli %select_n3A_507, %mul3A_511 : i32
    %add3A_513 = arith.constant 1 : i32
    %add3A_514 = arith.addi %mul3A_512, %add3A_513 : i32
    %mul3A_515 = arith.constant 4096 : i32
    %mul3A_516 = arith.muli %add3A_514, %mul3A_515 : i32
    %mul3A_517 = arith.constant 128 : i32
    %mul3A_518 = arith.muli %sub3A_510, %mul3A_517 : i32
    %add3A_519 = arith.addi %mul3A_516, %mul3A_518 : i32
    %multiple_of3A_520 = tpu.assume_multiple %add3A_519, 8 : i32
    %dma_start3A_521 = arith.constant 0 : i32
    %dma_start3A_522 = tpu.memref_slice %arg4[%multiple_of3A_520, %dma_start3A_521] : memref<204800x128xf32, #tpu.memory_space<hbm>> -> memref<128x128xf32, #tpu.memory_space<hbm>>
    %dma_start3A_523 = arith.constant 0 : i32
    %dma_start3A_524 = tpu.memref_slice %arg4[%multiple_of3A_520, %dma_start3A_523] : memref<204800x128xf32, #tpu.memory_space<hbm>> -> memref<128x128xf32, #tpu.memory_space<hbm>>
    tpu.enqueue_dma source(%arg7 : memref<128x128xf32, #tpu.memory_space<vmem>>) target(%dma_start3A_524 : memref<128x128xf32, #tpu.memory_space<hbm>>) target_semaphore(%arg19 : memref<!tpu.dma_semaphore, #tpu.memory_space<semaphore_mem>>)
    %get3A_525 = arith.constant 4 : i32
    %get3A_526 = arith.index_cast %get3A_525 : i32 to index
    %get3A_527 = arith.constant 0 : index
    %get3A_528 = tpu.vector_load %arg5[%get3A_526, %get3A_527] {strides = array<i32>} : memref<50x128xi32, #tpu.memory_space<vmem>>, vector<1x50xi32>,
    %get3A_529 = vector.shape_cast %get3A_528 : vector<1x50xi32> to vector<50xi32>
    %sub3A_530 = arith.constant 30522 : i32
    %sub3A_531 = vector.broadcast %sub3A_530 : i32 to vector<50xi32>
    %sub3A_532 = arith.subi %get3A_529, %sub3A_531 : vector<50xi32>
    %swap3A_533 = arith.constant 4 : i32
    %swap3A_534 = arith.index_cast %swap3A_533 : i32 to index
    %swap3A_535 = arith.constant 0 : index
    %swap3A_536 = tpu.vector_load %arg5[%swap3A_534, %swap3A_535] {strides = array<i32>} : memref<50x128xi32, #tpu.memory_space<vmem>>, vector<1x50xi32>,
    %swap3A_537 = vector.shape_cast %swap3A_536 : vector<1x50xi32> to vector<50xi32>
    %swap3A_538 = vector.shape_cast %sub3A_532 : vector<50xi32> to vector<1x50xi32>
    tpu.vector_store %arg5[%swap3A_534, %swap3A_535], %swap3A_538 {strides = array<i32>} : memref<50x128xi32, #tpu.memory_space<vmem>>, vector<1x50xi32>,
    %get3A_539 = arith.constant 4 : i32
    %get3A_540 = arith.index_cast %get3A_539 : i32 to index
    %get3A_541 = arith.constant 50 : index
    %get3A_542 = tpu.vector_load %arg5[%get3A_540, %get3A_541] {strides = array<i32>} : memref<50x128xi32, #tpu.memory_space<vmem>>, vector<1x50xi32>,
    %get3A_543 = vector.shape_cast %get3A_542 : vector<1x50xi32> to vector<50xi32>
    %sub3A_544 = arith.constant 30522 : i32
    %sub3A_545 = vector.broadcast %sub3A_544 : i32 to vector<50xi32>
    %sub3A_546 = arith.subi %get3A_543, %sub3A_545 : vector<50xi32>
    %swap3A_547 = arith.constant 4 : i32
    %swap3A_548 = arith.index_cast %swap3A_547 : i32 to index
    %swap3A_549 = arith.constant 50 : index
    %swap3A_550 = tpu.vector_load %arg5[%swap3A_548, %swap3A_549] {strides = array<i32>} : memref<50x128xi32, #tpu.memory_space<vmem>>, vector<1x50xi32>,
    %swap3A_551 = vector.shape_cast %swap3A_550 : vector<1x50xi32> to vector<50xi32>
    %swap3A_552 = vector.shape_cast %sub3A_546 : vector<50xi32> to vector<1x50xi32>
    tpu.vector_store %arg5[%swap3A_548, %swap3A_549], %swap3A_552 {strides = array<i32>} : memref<50x128xi32, #tpu.memory_space<vmem>>, vector<1x50xi32>,
    %dma_start3A_553 = arith.constant 4 : i32
    %dma_start3A_554 = arith.constant 0 : i32
    %dma_start3A_555 = tpu.memref_slice %arg5[%dma_start3A_553, %dma_start3A_554] : memref<50x128xi32, #tpu.memory_space<vmem>> -> memref<1x128xi32, #tpu.memory_space<vmem>>
    %dma_start3A_556 = tpu.memref_squeeze %dma_start3A_555 : memref<1x128xi32, #tpu.memory_space<vmem>> -> memref<128xi32, #tpu.memory_space<vmem>>
    %dma_start3A_557 = arith.constant 0 : i32
    %dma_start3A_558 = arith.constant 0 : i32
    %dma_start3A_559 = tpu.memref_slice %arg3[%dma_start3A_557, %dma_start3A_558] : memref<100000x128xf32, #tpu.memory_space<hbm>> -> memref<100000x128xf32, #tpu.memory_space<hbm>>
    tpu.enqueue_indirect_dma source(%dma_start3A_559 : memref<100000x128xf32, #tpu.memory_space<hbm>>) target(%arg10 : memref<128x128xf32, #tpu.memory_space<vmem>>) offsets(%dma_start3A_556 : memref<128xi32, #tpu.memory_space<vmem>>) semaphore(%arg17 : memref<!tpu.dma_semaphore, #tpu.memory_space<semaphore_mem>>)
    %dma_wait3A_560 = arith.constant 8 : i32
    %dma_wait3A_561 = arith.constant 0 : i32
    %dma_wait3A_562 = tpu.memref_slice %arg5[%dma_wait3A_560, %dma_wait3A_561] : memref<50x128xi32, #tpu.memory_space<vmem>> -> memref<42x128xi32, #tpu.memory_space<vmem>>
    %dma_wait3A_563 = arith.constant 8 : i32
    %dma_wait3A_564 = arith.constant 0 : i32
    %dma_wait3A_565 = tpu.memref_slice %arg2[%dma_wait3A_563, %dma_wait3A_564] : memref<50x4096xi32, #tpu.memory_space<hbm>> -> memref<42x128xi32, #tpu.memory_space<hbm>>
    %dma_wait3A_566 = arith.constant 8 : i32
    %dma_wait3A_567 = arith.constant 0 : i32
    %dma_wait3A_568 = tpu.memref_slice %arg5[%dma_wait3A_566, %dma_wait3A_567] : memref<50x128xi32, #tpu.memory_space<vmem>> -> memref<42x128xi32, #tpu.memory_space<vmem>>
    %dma_wait3A_569 = arith.constant 8 : i32
    %dma_wait3A_570 = arith.constant 0 : i32
    %dma_wait3A_571 = tpu.memref_slice %arg2[%dma_wait3A_569, %dma_wait3A_570] : memref<50x4096xi32, #tpu.memory_space<hbm>> -> memref<42x128xi32, #tpu.memory_space<hbm>>
    tpu.wait_dma2 semaphore(%arg12 : memref<!tpu.dma_semaphore, #tpu.memory_space<semaphore_mem>>) src(%dma_wait3A_571 : memref<42x128xi32, #tpu.memory_space<hbm>>) dst(%dma_wait3A_568 : memref<42x128xi32, #tpu.memory_space<vmem>>)
    %scan3A = arith.constant 0 : i32
    %scan3A_572 = arith.constant 0 : i32
    %scan3A_573 = arith.constant 9 : i32
    %scan3A_574 = arith.addi %scan3A_572, %scan3A_573 : i32
    %scan3A_575 = arith.constant 1 : i32
    scf.for %scan3A_688 = %scan3A_572 to %scan3A_574 step %scan3A_575  : i32 {
      %mul3A_689 = arith.constant 5 : i32
      %mul3A_690 = arith.muli %scan3A_688, %mul3A_689 : i32
      %add3A_691 = arith.constant 2 : i32
      %add3A_692 = arith.addi %add3A_691, %mul3A_690 : i32
      %add3A_693 = arith.constant 0 : i32
      %add3A_694 = arith.addi %add3A_692, %add3A_693 : i32
      %dma_wait3A_695 = arith.constant 0 : i32
      %dma_wait3A_696 = arith.constant 0 : i32
      %dma_wait3A_697 = tpu.memref_slice %arg3[%dma_wait3A_695, %dma_wait3A_696] : memref<100000x128xf32, #tpu.memory_space<hbm>> -> memref<128x128xf32, #tpu.memory_space<hbm>>
      %dma_wait3A_698 = arith.constant 0 : i32
      %dma_wait3A_699 = arith.constant 0 : i32
      %dma_wait3A_700 = tpu.memref_slice %arg3[%dma_wait3A_698, %dma_wait3A_699] : memref<100000x128xf32, #tpu.memory_space<hbm>> -> memref<128x128xf32, #tpu.memory_space<hbm>>
      tpu.wait_dma2 semaphore(%arg15 : memref<!tpu.dma_semaphore, #tpu.memory_space<semaphore_mem>>) src(%dma_wait3A_700 : memref<128x128xf32, #tpu.memory_space<hbm>>) dst(%arg8 : memref<128x128xf32, #tpu.memory_space<vmem>>)
      %mul3A_701 = arith.constant 6 : i32
      %mul3A_702 = arith.muli %mul3A_701, %add3A : i32
      %jit3A_703 = arith.constant 8 : i32
      %div3A_704 = arith.divsi %add3A_694, %jit3A_703 : i32
      %sign3A_705 = arith.constant 0 : i32
      %sign3A_706 = arith.cmpi sgt, %add3A_694, %sign3A_705 : i32
      %sign3A_707 = arith.extui %sign3A_706 : i1 to i32
      %sign3A_708 = arith.constant 0 : i32
      %sign3A_709 = arith.cmpi slt, %add3A_694, %sign3A_708 : i32
      %sign3A_710 = arith.extui %sign3A_709 : i1 to i32
      %sign3A_711 = arith.subi %sign3A_707, %sign3A_710 : i32
      %sign3A_712 = arith.constant 0 : i32
      %sign3A_713 = arith.cmpi sgt, %jit3A_703, %sign3A_712 : i32
      %sign3A_714 = arith.extui %sign3A_713 : i1 to i32
      %sign3A_715 = arith.constant 0 : i32
      %sign3A_716 = arith.cmpi slt, %jit3A_703, %sign3A_715 : i32
      %sign3A_717 = arith.extui %sign3A_716 : i1 to i32
      %sign3A_718 = arith.subi %sign3A_714, %sign3A_717 : i32
      %ne3A_719 = arith.cmpi ne, %sign3A_711, %sign3A_718 : i32
      %rem3A_720 = arith.remsi %add3A_694, %jit3A_703 : i32
      %ne3A_721 = arith.constant 0 : i32
      %ne3A_722 = arith.cmpi ne, %rem3A_720, %ne3A_721 : i32
      %and3A_723 = arith.andi %ne3A_719, %ne3A_722 : i1
      %sub3A_724 = arith.constant 1 : i32
      %sub3A_725 = arith.subi %div3A_704, %sub3A_724 : i32
      %select_n3A_726 = arith.select %and3A_723, %sub3A_725, %div3A_704 : i32
      %add3A_727 = arith.addi %mul3A_702, %select_n3A_726 : i32
      %jit3A_728 = arith.constant 32 : i32
      %div3A_729 = arith.divsi %add3A_727, %jit3A_728 : i32
      %sign3A_730 = arith.constant 0 : i32
      %sign3A_731 = arith.cmpi sgt, %add3A_727, %sign3A_730 : i32
      %sign3A_732 = arith.extui %sign3A_731 : i1 to i32
      %sign3A_733 = arith.constant 0 : i32
      %sign3A_734 = arith.cmpi slt, %add3A_727, %sign3A_733 : i32
      %sign3A_735 = arith.extui %sign3A_734 : i1 to i32
      %sign3A_736 = arith.subi %sign3A_732, %sign3A_735 : i32
      %sign3A_737 = arith.constant 0 : i32
      %sign3A_738 = arith.cmpi sgt, %jit3A_728, %sign3A_737 : i32
      %sign3A_739 = arith.extui %sign3A_738 : i1 to i32
      %sign3A_740 = arith.constant 0 : i32
      %sign3A_741 = arith.cmpi slt, %jit3A_728, %sign3A_740 : i32
      %sign3A_742 = arith.extui %sign3A_741 : i1 to i32
      %sign3A_743 = arith.subi %sign3A_739, %sign3A_742 : i32
      %ne3A_744 = arith.cmpi ne, %sign3A_736, %sign3A_743 : i32
      %rem3A_745 = arith.remsi %add3A_727, %jit3A_728 : i32
      %ne3A_746 = arith.constant 0 : i32
      %ne3A_747 = arith.cmpi ne, %rem3A_745, %ne3A_746 : i32
      %and3A_748 = arith.andi %ne3A_744, %ne3A_747 : i1
      %sub3A_749 = arith.constant 1 : i32
      %sub3A_750 = arith.subi %div3A_729, %sub3A_749 : i32
      %select_n3A_751 = arith.select %and3A_748, %sub3A_750, %div3A_729 : i32
      %mul3A_752 = arith.constant 32 : i32
      %mul3A_753 = arith.muli %select_n3A_751, %mul3A_752 : i32
      %sub3A_754 = arith.subi %add3A_727, %mul3A_753 : i32
      %mul3A_755 = arith.constant 8 : i32
      %mul3A_756 = arith.muli %select_n3A_751, %mul3A_755 : i32
      %jit3A_757 = arith.constant 8 : i32
      %eq3A = arith.constant 0 : i32
      %eq3A_758 = arith.cmpi eq, %jit3A_757, %eq3A : i32
      %jit3A_759 = arith.constant 1 : i32
      %select_n3A_760 = arith.select %eq3A_758, %jit3A_759, %jit3A_757 : i32
      %rem3A_761 = arith.remsi %add3A_694, %select_n3A_760 : i32
      %ne3A_762 = arith.constant 0 : i32
      %ne3A_763 = arith.cmpi ne, %rem3A_761, %ne3A_762 : i32
      %lt3A = arith.constant 0 : i32
      %lt3A_764 = arith.cmpi slt, %rem3A_761, %lt3A : i32
      %lt3A_765 = arith.constant 0 : i32
      %lt3A_766 = arith.cmpi slt, %select_n3A_760, %lt3A_765 : i32
      %ne3A_767 = arith.xori %lt3A_764, %lt3A_766 : i1
      %and3A_768 = arith.andi %ne3A_767, %ne3A_763 : i1
      %add3A_769 = arith.addi %rem3A_761, %select_n3A_760 : i32
      %select_n3A_770 = arith.select %and3A_768, %add3A_769, %rem3A_761 : i32
      %add3A_771 = arith.addi %mul3A_756, %select_n3A_770 : i32
      %mul3A_772 = arith.constant 4096 : i32
      %mul3A_773 = arith.muli %add3A_771, %mul3A_772 : i32
      %mul3A_774 = arith.constant 128 : i32
      %mul3A_775 = arith.muli %sub3A_754, %mul3A_774 : i32
      %add3A_776 = arith.addi %mul3A_773, %mul3A_775 : i32
      %multiple_of3A_777 = tpu.assume_multiple %add3A_776, 8 : i32
      %dma_start3A_778 = arith.constant 0 : i32
      %dma_start3A_779 = tpu.memref_slice %arg4[%multiple_of3A_777, %dma_start3A_778] : memref<204800x128xf32, #tpu.memory_space<hbm>> -> memref<128x128xf32, #tpu.memory_space<hbm>>
      %dma_start3A_780 = arith.constant 0 : i32
      %dma_start3A_781 = tpu.memref_slice %arg4[%multiple_of3A_777, %dma_start3A_780] : memref<204800x128xf32, #tpu.memory_space<hbm>> -> memref<128x128xf32, #tpu.memory_space<hbm>>
      tpu.enqueue_dma source(%arg8 : memref<128x128xf32, #tpu.memory_space<vmem>>) target(%dma_start3A_781 : memref<128x128xf32, #tpu.memory_space<hbm>>) target_semaphore(%arg20 : memref<!tpu.dma_semaphore, #tpu.memory_space<semaphore_mem>>)
      %dma_wait3A_782 = arith.constant 0 : i32
      %dma_wait3A_783 = arith.constant 0 : i32
      %dma_wait3A_784 = tpu.memref_slice %arg3[%dma_wait3A_782, %dma_wait3A_783] : memref<100000x128xf32, #tpu.memory_space<hbm>> -> memref<128x128xf32, #tpu.memory_space<hbm>>
      %dma_wait3A_785 = arith.constant 0 : i32
      %dma_wait3A_786 = arith.constant 0 : i32
      %dma_wait3A_787 = tpu.memref_slice %arg3[%dma_wait3A_785, %dma_wait3A_786] : memref<100000x128xf32, #tpu.memory_space<hbm>> -> memref<128x128xf32, #tpu.memory_space<hbm>>
      tpu.wait_dma2 semaphore(%arg18 : memref<!tpu.dma_semaphore, #tpu.memory_space<semaphore_mem>>) src(%dma_wait3A_787 : memref<128x128xf32, #tpu.memory_space<hbm>>) dst(%arg6 : memref<128x128xf32, #tpu.memory_space<vmem>>)
      %add3A_788 = arith.constant 3 : i32
      %add3A_789 = arith.addi %add3A_694, %add3A_788 : i32
      %get3A_790 = arith.index_cast %add3A_789 : i32 to index
      %get3A_791 = arith.constant 0 : index
      %get3A_792 = tpu.vector_load %arg5[%get3A_790, %get3A_791] {strides = array<i32>} : memref<50x128xi32, #tpu.memory_space<vmem>>, vector<1x50xi32>,
      %get3A_793 = vector.shape_cast %get3A_792 : vector<1x50xi32> to vector<50xi32>
      %sub3A_794 = arith.constant 30522 : i32
      %sub3A_795 = vector.broadcast %sub3A_794 : i32 to vector<50xi32>
      %sub3A_796 = arith.subi %get3A_793, %sub3A_795 : vector<50xi32>
      %swap3A_797 = arith.index_cast %add3A_789 : i32 to index
      %swap3A_798 = arith.constant 0 : index
      %swap3A_799 = tpu.vector_load %arg5[%swap3A_797, %swap3A_798] {strides = array<i32>} : memref<50x128xi32, #tpu.memory_space<vmem>>, vector<1x50xi32>,
      %swap3A_800 = vector.shape_cast %swap3A_799 : vector<1x50xi32> to vector<50xi32>
      %swap3A_801 = vector.shape_cast %sub3A_796 : vector<50xi32> to vector<1x50xi32>
      tpu.vector_store %arg5[%swap3A_797, %swap3A_798], %swap3A_801 {strides = array<i32>} : memref<50x128xi32, #tpu.memory_space<vmem>>, vector<1x50xi32>,
      %get3A_802 = arith.index_cast %add3A_789 : i32 to index
      %get3A_803 = arith.constant 50 : index
      %get3A_804 = tpu.vector_load %arg5[%get3A_802, %get3A_803] {strides = array<i32>} : memref<50x128xi32, #tpu.memory_space<vmem>>, vector<1x50xi32>,
      %get3A_805 = vector.shape_cast %get3A_804 : vector<1x50xi32> to vector<50xi32>
      %sub3A_806 = arith.constant 30522 : i32
      %sub3A_807 = vector.broadcast %sub3A_806 : i32 to vector<50xi32>
      %sub3A_808 = arith.subi %get3A_805, %sub3A_807 : vector<50xi32>
      %swap3A_809 = arith.index_cast %add3A_789 : i32 to index
      %swap3A_810 = arith.constant 50 : index
      %swap3A_811 = tpu.vector_load %arg5[%swap3A_809, %swap3A_810] {strides = array<i32>} : memref<50x128xi32, #tpu.memory_space<vmem>>, vector<1x50xi32>,
      %swap3A_812 = vector.shape_cast %swap3A_811 : vector<1x50xi32> to vector<50xi32>
      %swap3A_813 = vector.shape_cast %sub3A_808 : vector<50xi32> to vector<1x50xi32>
      tpu.vector_store %arg5[%swap3A_809, %swap3A_810], %swap3A_813 {strides = array<i32>} : memref<50x128xi32, #tpu.memory_space<vmem>>, vector<1x50xi32>,
      %add3A_814 = arith.constant 3 : i32
      %add3A_815 = arith.addi %add3A_694, %add3A_814 : i32
      %dma_start3A_816 = arith.constant 0 : i32
      %dma_start3A_817 = tpu.memref_slice %arg5[%add3A_815, %dma_start3A_816] : memref<50x128xi32, #tpu.memory_space<vmem>> -> memref<1x128xi32, #tpu.memory_space<vmem>>
      %dma_start3A_818 = tpu.memref_squeeze %dma_start3A_817 : memref<1x128xi32, #tpu.memory_space<vmem>> -> memref<128xi32, #tpu.memory_space<vmem>>
      %dma_start3A_819 = arith.constant 0 : i32
      %dma_start3A_820 = arith.constant 0 : i32
      %dma_start3A_821 = tpu.memref_slice %arg3[%dma_start3A_819, %dma_start3A_820] : memref<100000x128xf32, #tpu.memory_space<hbm>> -> memref<100000x128xf32, #tpu.memory_space<hbm>>
      tpu.enqueue_indirect_dma source(%dma_start3A_821 : memref<100000x128xf32, #tpu.memory_space<hbm>>) target(%arg6 : memref<128x128xf32, #tpu.memory_space<vmem>>) offsets(%dma_start3A_818 : memref<128xi32, #tpu.memory_space<vmem>>) semaphore(%arg13 : memref<!tpu.dma_semaphore, #tpu.memory_space<semaphore_mem>>)
      %add3A_822 = arith.constant 1 : i32
      %add3A_823 = arith.addi %add3A_692, %add3A_822 : i32
      %dma_wait3A_824 = arith.constant 0 : i32
      %dma_wait3A_825 = arith.constant 0 : i32
      %dma_wait3A_826 = tpu.memref_slice %arg3[%dma_wait3A_824, %dma_wait3A_825] : memref<100000x128xf32, #tpu.memory_space<hbm>> -> memref<128x128xf32, #tpu.memory_space<hbm>>
      %dma_wait3A_827 = arith.constant 0 : i32
      %dma_wait3A_828 = arith.constant 0 : i32
      %dma_wait3A_829 = tpu.memref_slice %arg3[%dma_wait3A_827, %dma_wait3A_828] : memref<100000x128xf32, #tpu.memory_space<hbm>> -> memref<128x128xf32, #tpu.memory_space<hbm>>
      tpu.wait_dma2 semaphore(%arg16 : memref<!tpu.dma_semaphore, #tpu.memory_space<semaphore_mem>>) src(%dma_wait3A_829 : memref<128x128xf32, #tpu.memory_space<hbm>>) dst(%arg9 : memref<128x128xf32, #tpu.memory_space<vmem>>)
      %mul3A_830 = arith.constant 6 : i32
      %mul3A_831 = arith.muli %mul3A_830, %add3A : i32
      %jit3A_832 = arith.constant 8 : i32
      %div3A_833 = arith.divsi %add3A_823, %jit3A_832 : i32
      %sign3A_834 = arith.constant 0 : i32
      %sign3A_835 = arith.cmpi sgt, %add3A_823, %sign3A_834 : i32
      %sign3A_836 = arith.extui %sign3A_835 : i1 to i32
      %sign3A_837 = arith.constant 0 : i32
      %sign3A_838 = arith.cmpi slt, %add3A_823, %sign3A_837 : i32
      %sign3A_839 = arith.extui %sign3A_838 : i1 to i32
      %sign3A_840 = arith.subi %sign3A_836, %sign3A_839 : i32
      %sign3A_841 = arith.constant 0 : i32
      %sign3A_842 = arith.cmpi sgt, %jit3A_832, %sign3A_841 : i32
      %sign3A_843 = arith.extui %sign3A_842 : i1 to i32
      %sign3A_844 = arith.constant 0 : i32
      %sign3A_845 = arith.cmpi slt, %jit3A_832, %sign3A_844 : i32
      %sign3A_846 = arith.extui %sign3A_845 : i1 to i32
      %sign3A_847 = arith.subi %sign3A_843, %sign3A_846 : i32
      %ne3A_848 = arith.cmpi ne, %sign3A_840, %sign3A_847 : i32
      %rem3A_849 = arith.remsi %add3A_823, %jit3A_832 : i32
      %ne3A_850 = arith.constant 0 : i32
      %ne3A_851 = arith.cmpi ne, %rem3A_849, %ne3A_850 : i32
      %and3A_852 = arith.andi %ne3A_848, %ne3A_851 : i1
      %sub3A_853 = arith.constant 1 : i32
      %sub3A_854 = arith.subi %div3A_833, %sub3A_853 : i32
      %select_n3A_855 = arith.select %and3A_852, %sub3A_854, %div3A_833 : i32
      %add3A_856 = arith.addi %mul3A_831, %select_n3A_855 : i32
      %jit3A_857 = arith.constant 32 : i32
      %div3A_858 = arith.divsi %add3A_856, %jit3A_857 : i32
      %sign3A_859 = arith.constant 0 : i32
      %sign3A_860 = arith.cmpi sgt, %add3A_856, %sign3A_859 : i32
      %sign3A_861 = arith.extui %sign3A_860 : i1 to i32
      %sign3A_862 = arith.constant 0 : i32
      %sign3A_863 = arith.cmpi slt, %add3A_856, %sign3A_862 : i32
      %sign3A_864 = arith.extui %sign3A_863 : i1 to i32
      %sign3A_865 = arith.subi %sign3A_861, %sign3A_864 : i32
      %sign3A_866 = arith.constant 0 : i32
      %sign3A_867 = arith.cmpi sgt, %jit3A_857, %sign3A_866 : i32
      %sign3A_868 = arith.extui %sign3A_867 : i1 to i32
      %sign3A_869 = arith.constant 0 : i32
      %sign3A_870 = arith.cmpi slt, %jit3A_857, %sign3A_869 : i32
      %sign3A_871 = arith.extui %sign3A_870 : i1 to i32
      %sign3A_872 = arith.subi %sign3A_868, %sign3A_871 : i32
      %ne3A_873 = arith.cmpi ne, %sign3A_865, %sign3A_872 : i32
      %rem3A_874 = arith.remsi %add3A_856, %jit3A_857 : i32
      %ne3A_875 = arith.constant 0 : i32
      %ne3A_876 = arith.cmpi ne, %rem3A_874, %ne3A_875 : i32
      %and3A_877 = arith.andi %ne3A_873, %ne3A_876 : i1
      %sub3A_878 = arith.constant 1 : i32
      %sub3A_879 = arith.subi %div3A_858, %sub3A_878 : i32
      %select_n3A_880 = arith.select %and3A_877, %sub3A_879, %div3A_858 : i32
      %mul3A_881 = arith.constant 32 : i32
      %mul3A_882 = arith.muli %select_n3A_880, %mul3A_881 : i32
      %sub3A_883 = arith.subi %add3A_856, %mul3A_882 : i32
      %mul3A_884 = arith.constant 8 : i32
      %mul3A_885 = arith.muli %select_n3A_880, %mul3A_884 : i32
      %jit3A_886 = arith.constant 8 : i32
      %eq3A_887 = arith.constant 0 : i32
      %eq3A_888 = arith.cmpi eq, %jit3A_886, %eq3A_887 : i32
      %jit3A_889 = arith.constant 1 : i32
      %select_n3A_890 = arith.select %eq3A_888, %jit3A_889, %jit3A_886 : i32
      %rem3A_891 = arith.remsi %add3A_823, %select_n3A_890 : i32
      %ne3A_892 = arith.constant 0 : i32
      %ne3A_893 = arith.cmpi ne, %rem3A_891, %ne3A_892 : i32
      %lt3A_894 = arith.constant 0 : i32
      %lt3A_895 = arith.cmpi slt, %rem3A_891, %lt3A_894 : i32
      %lt3A_896 = arith.constant 0 : i32
      %lt3A_897 = arith.cmpi slt, %select_n3A_890, %lt3A_896 : i32
      %ne3A_898 = arith.xori %lt3A_895, %lt3A_897 : i1
      %and3A_899 = arith.andi %ne3A_898, %ne3A_893 : i1
      %add3A_900 = arith.addi %rem3A_891, %select_n3A_890 : i32
      %select_n3A_901 = arith.select %and3A_899, %add3A_900, %rem3A_891 : i32
      %add3A_902 = arith.addi %mul3A_885, %select_n3A_901 : i32
      %mul3A_903 = arith.constant 4096 : i32
      %mul3A_904 = arith.muli %add3A_902, %mul3A_903 : i32
      %mul3A_905 = arith.constant 128 : i32
      %mul3A_906 = arith.muli %sub3A_883, %mul3A_905 : i32
      %add3A_907 = arith.addi %mul3A_904, %mul3A_906 : i32
      %multiple_of3A_908 = tpu.assume_multiple %add3A_907, 8 : i32
      %dma_start3A_909 = arith.constant 0 : i32
      %dma_start3A_910 = tpu.memref_slice %arg4[%multiple_of3A_908, %dma_start3A_909] : memref<204800x128xf32, #tpu.memory_space<hbm>> -> memref<128x128xf32, #tpu.memory_space<hbm>>
      %dma_start3A_911 = arith.constant 0 : i32
      %dma_start3A_912 = tpu.memref_slice %arg4[%multiple_of3A_908, %dma_start3A_911] : memref<204800x128xf32, #tpu.memory_space<hbm>> -> memref<128x128xf32, #tpu.memory_space<hbm>>
      tpu.enqueue_dma source(%arg9 : memref<128x128xf32, #tpu.memory_space<vmem>>) target(%dma_start3A_912 : memref<128x128xf32, #tpu.memory_space<hbm>>) target_semaphore(%arg21 : memref<!tpu.dma_semaphore, #tpu.memory_space<semaphore_mem>>)
      %dma_wait3A_913 = arith.constant 0 : i32
      %dma_wait3A_914 = arith.constant 0 : i32
      %dma_wait3A_915 = tpu.memref_slice %arg3[%dma_wait3A_913, %dma_wait3A_914] : memref<100000x128xf32, #tpu.memory_space<hbm>> -> memref<128x128xf32, #tpu.memory_space<hbm>>
      %dma_wait3A_916 = arith.constant 0 : i32
      %dma_wait3A_917 = arith.constant 0 : i32
      %dma_wait3A_918 = tpu.memref_slice %arg3[%dma_wait3A_916, %dma_wait3A_917] : memref<100000x128xf32, #tpu.memory_space<hbm>> -> memref<128x128xf32, #tpu.memory_space<hbm>>
      tpu.wait_dma2 semaphore(%arg19 : memref<!tpu.dma_semaphore, #tpu.memory_space<semaphore_mem>>) src(%dma_wait3A_918 : memref<128x128xf32, #tpu.memory_space<hbm>>) dst(%arg7 : memref<128x128xf32, #tpu.memory_space<vmem>>)
      %add3A_919 = arith.constant 3 : i32
      %add3A_920 = arith.addi %add3A_823, %add3A_919 : i32
      %get3A_921 = arith.index_cast %add3A_920 : i32 to index
      %get3A_922 = arith.constant 0 : index
      %get3A_923 = tpu.vector_load %arg5[%get3A_921, %get3A_922] {strides = array<i32>} : memref<50x128xi32, #tpu.memory_space<vmem>>, vector<1x50xi32>,
      %get3A_924 = vector.shape_cast %get3A_923 : vector<1x50xi32> to vector<50xi32>
      %sub3A_925 = arith.constant 30522 : i32
      %sub3A_926 = vector.broadcast %sub3A_925 : i32 to vector<50xi32>
      %sub3A_927 = arith.subi %get3A_924, %sub3A_926 : vector<50xi32>
      %swap3A_928 = arith.index_cast %add3A_920 : i32 to index
      %swap3A_929 = arith.constant 0 : index
      %swap3A_930 = tpu.vector_load %arg5[%swap3A_928, %swap3A_929] {strides = array<i32>} : memref<50x128xi32, #tpu.memory_space<vmem>>, vector<1x50xi32>,
      %swap3A_931 = vector.shape_cast %swap3A_930 : vector<1x50xi32> to vector<50xi32>
      %swap3A_932 = vector.shape_cast %sub3A_927 : vector<50xi32> to vector<1x50xi32>
      tpu.vector_store %arg5[%swap3A_928, %swap3A_929], %swap3A_932 {strides = array<i32>} : memref<50x128xi32, #tpu.memory_space<vmem>>, vector<1x50xi32>,
      %get3A_933 = arith.index_cast %add3A_920 : i32 to index
      %get3A_934 = arith.constant 50 : index
      %get3A_935 = tpu.vector_load %arg5[%get3A_933, %get3A_934] {strides = array<i32>} : memref<50x128xi32, #tpu.memory_space<vmem>>, vector<1x50xi32>,
      %get3A_936 = vector.shape_cast %get3A_935 : vector<1x50xi32> to vector<50xi32>
      %sub3A_937 = arith.constant 30522 : i32
      %sub3A_938 = vector.broadcast %sub3A_937 : i32 to vector<50xi32>
      %sub3A_939 = arith.subi %get3A_936, %sub3A_938 : vector<50xi32>
      %swap3A_940 = arith.index_cast %add3A_920 : i32 to index
      %swap3A_941 = arith.constant 50 : index
      %swap3A_942 = tpu.vector_load %arg5[%swap3A_940, %swap3A_941] {strides = array<i32>} : memref<50x128xi32, #tpu.memory_space<vmem>>, vector<1x50xi32>,
      %swap3A_943 = vector.shape_cast %swap3A_942 : vector<1x50xi32> to vector<50xi32>
      %swap3A_944 = vector.shape_cast %sub3A_939 : vector<50xi32> to vector<1x50xi32>
      tpu.vector_store %arg5[%swap3A_940, %swap3A_941], %swap3A_944 {strides = array<i32>} : memref<50x128xi32, #tpu.memory_space<vmem>>, vector<1x50xi32>,
      %add3A_945 = arith.constant 3 : i32
      %add3A_946 = arith.addi %add3A_823, %add3A_945 : i32
      %dma_start3A_947 = arith.constant 0 : i32
      %dma_start3A_948 = tpu.memref_slice %arg5[%add3A_946, %dma_start3A_947] : memref<50x128xi32, #tpu.memory_space<vmem>> -> memref<1x128xi32, #tpu.memory_space<vmem>>
      %dma_start3A_949 = tpu.memref_squeeze %dma_start3A_948 : memref<1x128xi32, #tpu.memory_space<vmem>> -> memref<128xi32, #tpu.memory_space<vmem>>
      %dma_start3A_950 = arith.constant 0 : i32
      %dma_start3A_951 = arith.constant 0 : i32
      %dma_start3A_952 = tpu.memref_slice %arg3[%dma_start3A_950, %dma_start3A_951] : memref<100000x128xf32, #tpu.memory_space<hbm>> -> memref<100000x128xf32, #tpu.memory_space<hbm>>
      tpu.enqueue_indirect_dma source(%dma_start3A_952 : memref<100000x128xf32, #tpu.memory_space<hbm>>) target(%arg7 : memref<128x128xf32, #tpu.memory_space<vmem>>) offsets(%dma_start3A_949 : memref<128xi32, #tpu.memory_space<vmem>>) semaphore(%arg14 : memref<!tpu.dma_semaphore, #tpu.memory_space<semaphore_mem>>)
      %add3A_953 = arith.constant 2 : i32
      %add3A_954 = arith.addi %add3A_692, %add3A_953 : i32
      %dma_wait3A_955 = arith.constant 0 : i32
      %dma_wait3A_956 = arith.constant 0 : i32
      %dma_wait3A_957 = tpu.memref_slice %arg3[%dma_wait3A_955, %dma_wait3A_956] : memref<100000x128xf32, #tpu.memory_space<hbm>> -> memref<128x128xf32, #tpu.memory_space<hbm>>
      %dma_wait3A_958 = arith.constant 0 : i32
      %dma_wait3A_959 = arith.constant 0 : i32
      %dma_wait3A_960 = tpu.memref_slice %arg3[%dma_wait3A_958, %dma_wait3A_959] : memref<100000x128xf32, #tpu.memory_space<hbm>> -> memref<128x128xf32, #tpu.memory_space<hbm>>
      tpu.wait_dma2 semaphore(%arg17 : memref<!tpu.dma_semaphore, #tpu.memory_space<semaphore_mem>>) src(%dma_wait3A_960 : memref<128x128xf32, #tpu.memory_space<hbm>>) dst(%arg10 : memref<128x128xf32, #tpu.memory_space<vmem>>)
      %mul3A_961 = arith.constant 6 : i32
      %mul3A_962 = arith.muli %mul3A_961, %add3A : i32
      %jit3A_963 = arith.constant 8 : i32
      %div3A_964 = arith.divsi %add3A_954, %jit3A_963 : i32
      %sign3A_965 = arith.constant 0 : i32
      %sign3A_966 = arith.cmpi sgt, %add3A_954, %sign3A_965 : i32
      %sign3A_967 = arith.extui %sign3A_966 : i1 to i32
      %sign3A_968 = arith.constant 0 : i32
      %sign3A_969 = arith.cmpi slt, %add3A_954, %sign3A_968 : i32
      %sign3A_970 = arith.extui %sign3A_969 : i1 to i32
      %sign3A_971 = arith.subi %sign3A_967, %sign3A_970 : i32
      %sign3A_972 = arith.constant 0 : i32
      %sign3A_973 = arith.cmpi sgt, %jit3A_963, %sign3A_972 : i32
      %sign3A_974 = arith.extui %sign3A_973 : i1 to i32
      %sign3A_975 = arith.constant 0 : i32
      %sign3A_976 = arith.cmpi slt, %jit3A_963, %sign3A_975 : i32
      %sign3A_977 = arith.extui %sign3A_976 : i1 to i32
      %sign3A_978 = arith.subi %sign3A_974, %sign3A_977 : i32
      %ne3A_979 = arith.cmpi ne, %sign3A_971, %sign3A_978 : i32
      %rem3A_980 = arith.remsi %add3A_954, %jit3A_963 : i32
      %ne3A_981 = arith.constant 0 : i32
      %ne3A_982 = arith.cmpi ne, %rem3A_980, %ne3A_981 : i32
      %and3A_983 = arith.andi %ne3A_979, %ne3A_982 : i1
      %sub3A_984 = arith.constant 1 : i32
      %sub3A_985 = arith.subi %div3A_964, %sub3A_984 : i32
      %select_n3A_986 = arith.select %and3A_983, %sub3A_985, %div3A_964 : i32
      %add3A_987 = arith.addi %mul3A_962, %select_n3A_986 : i32
      %jit3A_988 = arith.constant 32 : i32
      %div3A_989 = arith.divsi %add3A_987, %jit3A_988 : i32
      %sign3A_990 = arith.constant 0 : i32
      %sign3A_991 = arith.cmpi sgt, %add3A_987, %sign3A_990 : i32
      %sign3A_992 = arith.extui %sign3A_991 : i1 to i32
      %sign3A_993 = arith.constant 0 : i32
      %sign3A_994 = arith.cmpi slt, %add3A_987, %sign3A_993 : i32
      %sign3A_995 = arith.extui %sign3A_994 : i1 to i32
      %sign3A_996 = arith.subi %sign3A_992, %sign3A_995 : i32
      %sign3A_997 = arith.constant 0 : i32
      %sign3A_998 = arith.cmpi sgt, %jit3A_988, %sign3A_997 : i32
      %sign3A_999 = arith.extui %sign3A_998 : i1 to i32
      %sign3A_1000 = arith.constant 0 : i32
      %sign3A_1001 = arith.cmpi slt, %jit3A_988, %sign3A_1000 : i32
      %sign3A_1002 = arith.extui %sign3A_1001 : i1 to i32
      %sign3A_1003 = arith.subi %sign3A_999, %sign3A_1002 : i32
      %ne3A_1004 = arith.cmpi ne, %sign3A_996, %sign3A_1003 : i32
      %rem3A_1005 = arith.remsi %add3A_987, %jit3A_988 : i32
      %ne3A_1006 = arith.constant 0 : i32
      %ne3A_1007 = arith.cmpi ne, %rem3A_1005, %ne3A_1006 : i32
      %and3A_1008 = arith.andi %ne3A_1004, %ne3A_1007 : i1
      %sub3A_1009 = arith.constant 1 : i32
      %sub3A_1010 = arith.subi %div3A_989, %sub3A_1009 : i32
      %select_n3A_1011 = arith.select %and3A_1008, %sub3A_1010, %div3A_989 : i32
      %mul3A_1012 = arith.constant 32 : i32
      %mul3A_1013 = arith.muli %select_n3A_1011, %mul3A_1012 : i32
      %sub3A_1014 = arith.subi %add3A_987, %mul3A_1013 : i32
      %mul3A_1015 = arith.constant 8 : i32
      %mul3A_1016 = arith.muli %select_n3A_1011, %mul3A_1015 : i32
      %jit3A_1017 = arith.constant 8 : i32
      %eq3A_1018 = arith.constant 0 : i32
      %eq3A_1019 = arith.cmpi eq, %jit3A_1017, %eq3A_1018 : i32
      %jit3A_1020 = arith.constant 1 : i32
      %select_n3A_1021 = arith.select %eq3A_1019, %jit3A_1020, %jit3A_1017 : i32
      %rem3A_1022 = arith.remsi %add3A_954, %select_n3A_1021 : i32
      %ne3A_1023 = arith.constant 0 : i32
      %ne3A_1024 = arith.cmpi ne, %rem3A_1022, %ne3A_1023 : i32
      %lt3A_1025 = arith.constant 0 : i32
      %lt3A_1026 = arith.cmpi slt, %rem3A_1022, %lt3A_1025 : i32
      %lt3A_1027 = arith.constant 0 : i32
      %lt3A_1028 = arith.cmpi slt, %select_n3A_1021, %lt3A_1027 : i32
      %ne3A_1029 = arith.xori %lt3A_1026, %lt3A_1028 : i1
      %and3A_1030 = arith.andi %ne3A_1029, %ne3A_1024 : i1
      %add3A_1031 = arith.addi %rem3A_1022, %select_n3A_1021 : i32
      %select_n3A_1032 = arith.select %and3A_1030, %add3A_1031, %rem3A_1022 : i32
      %add3A_1033 = arith.addi %mul3A_1016, %select_n3A_1032 : i32
      %mul3A_1034 = arith.constant 4096 : i32
      %mul3A_1035 = arith.muli %add3A_1033, %mul3A_1034 : i32
      %mul3A_1036 = arith.constant 128 : i32
      %mul3A_1037 = arith.muli %sub3A_1014, %mul3A_1036 : i32
      %add3A_1038 = arith.addi %mul3A_1035, %mul3A_1037 : i32
      %multiple_of3A_1039 = tpu.assume_multiple %add3A_1038, 8 : i32
      %dma_start3A_1040 = arith.constant 0 : i32
      %dma_start3A_1041 = tpu.memref_slice %arg4[%multiple_of3A_1039, %dma_start3A_1040] : memref<204800x128xf32, #tpu.memory_space<hbm>> -> memref<128x128xf32, #tpu.memory_space<hbm>>
      %dma_start3A_1042 = arith.constant 0 : i32
      %dma_start3A_1043 = tpu.memref_slice %arg4[%multiple_of3A_1039, %dma_start3A_1042] : memref<204800x128xf32, #tpu.memory_space<hbm>> -> memref<128x128xf32, #tpu.memory_space<hbm>>
      tpu.enqueue_dma source(%arg10 : memref<128x128xf32, #tpu.memory_space<vmem>>) target(%dma_start3A_1043 : memref<128x128xf32, #tpu.memory_space<hbm>>) target_semaphore(%arg22 : memref<!tpu.dma_semaphore, #tpu.memory_space<semaphore_mem>>)
      %dma_wait3A_1044 = arith.constant 0 : i32
      %dma_wait3A_1045 = arith.constant 0 : i32
      %dma_wait3A_1046 = tpu.memref_slice %arg3[%dma_wait3A_1044, %dma_wait3A_1045] : memref<100000x128xf32, #tpu.memory_space<hbm>> -> memref<128x128xf32, #tpu.memory_space<hbm>>
      %dma_wait3A_1047 = arith.constant 0 : i32
      %dma_wait3A_1048 = arith.constant 0 : i32
      %dma_wait3A_1049 = tpu.memref_slice %arg3[%dma_wait3A_1047, %dma_wait3A_1048] : memref<100000x128xf32, #tpu.memory_space<hbm>> -> memref<128x128xf32, #tpu.memory_space<hbm>>
      tpu.wait_dma2 semaphore(%arg20 : memref<!tpu.dma_semaphore, #tpu.memory_space<semaphore_mem>>) src(%dma_wait3A_1049 : memref<128x128xf32, #tpu.memory_space<hbm>>) dst(%arg8 : memref<128x128xf32, #tpu.memory_space<vmem>>)
      %add3A_1050 = arith.constant 3 : i32
      %add3A_1051 = arith.addi %add3A_954, %add3A_1050 : i32
      %get3A_1052 = arith.index_cast %add3A_1051 : i32 to index
      %get3A_1053 = arith.constant 0 : index
      %get3A_1054 = tpu.vector_load %arg5[%get3A_1052, %get3A_1053] {strides = array<i32>} : memref<50x128xi32, #tpu.memory_space<vmem>>, vector<1x50xi32>,
      %get3A_1055 = vector.shape_cast %get3A_1054 : vector<1x50xi32> to vector<50xi32>
      %sub3A_1056 = arith.constant 30522 : i32
      %sub3A_1057 = vector.broadcast %sub3A_1056 : i32 to vector<50xi32>
      %sub3A_1058 = arith.subi %get3A_1055, %sub3A_1057 : vector<50xi32>
      %swap3A_1059 = arith.index_cast %add3A_1051 : i32 to index
      %swap3A_1060 = arith.constant 0 : index
      %swap3A_1061 = tpu.vector_load %arg5[%swap3A_1059, %swap3A_1060] {strides = array<i32>} : memref<50x128xi32, #tpu.memory_space<vmem>>, vector<1x50xi32>,
      %swap3A_1062 = vector.shape_cast %swap3A_1061 : vector<1x50xi32> to vector<50xi32>
      %swap3A_1063 = vector.shape_cast %sub3A_1058 : vector<50xi32> to vector<1x50xi32>
      tpu.vector_store %arg5[%swap3A_1059, %swap3A_1060], %swap3A_1063 {strides = array<i32>} : memref<50x128xi32, #tpu.memory_space<vmem>>, vector<1x50xi32>,
      %get3A_1064 = arith.index_cast %add3A_1051 : i32 to index
      %get3A_1065 = arith.constant 50 : index
      %get3A_1066 = tpu.vector_load %arg5[%get3A_1064, %get3A_1065] {strides = array<i32>} : memref<50x128xi32, #tpu.memory_space<vmem>>, vector<1x50xi32>,
      %get3A_1067 = vector.shape_cast %get3A_1066 : vector<1x50xi32> to vector<50xi32>
      %sub3A_1068 = arith.constant 30522 : i32
      %sub3A_1069 = vector.broadcast %sub3A_1068 : i32 to vector<50xi32>
      %sub3A_1070 = arith.subi %get3A_1067, %sub3A_1069 : vector<50xi32>
      %swap3A_1071 = arith.index_cast %add3A_1051 : i32 to index
      %swap3A_1072 = arith.constant 50 : index
      %swap3A_1073 = tpu.vector_load %arg5[%swap3A_1071, %swap3A_1072] {strides = array<i32>} : memref<50x128xi32, #tpu.memory_space<vmem>>, vector<1x50xi32>,
      %swap3A_1074 = vector.shape_cast %swap3A_1073 : vector<1x50xi32> to vector<50xi32>
      %swap3A_1075 = vector.shape_cast %sub3A_1070 : vector<50xi32> to vector<1x50xi32>
      tpu.vector_store %arg5[%swap3A_1071, %swap3A_1072], %swap3A_1075 {strides = array<i32>} : memref<50x128xi32, #tpu.memory_space<vmem>>, vector<1x50xi32>,
      %add3A_1076 = arith.constant 3 : i32
      %add3A_1077 = arith.addi %add3A_954, %add3A_1076 : i32
      %dma_start3A_1078 = arith.constant 0 : i32
      %dma_start3A_1079 = tpu.memref_slice %arg5[%add3A_1077, %dma_start3A_1078] : memref<50x128xi32, #tpu.memory_space<vmem>> -> memref<1x128xi32, #tpu.memory_space<vmem>>
      %dma_start3A_1080 = tpu.memref_squeeze %dma_start3A_1079 : memref<1x128xi32, #tpu.memory_space<vmem>> -> memref<128xi32, #tpu.memory_space<vmem>>
      %dma_start3A_1081 = arith.constant 0 : i32
      %dma_start3A_1082 = arith.constant 0 : i32
      %dma_start3A_1083 = tpu.memref_slice %arg3[%dma_start3A_1081, %dma_start3A_1082] : memref<100000x128xf32, #tpu.memory_space<hbm>> -> memref<100000x128xf32, #tpu.memory_space<hbm>>
      tpu.enqueue_indirect_dma source(%dma_start3A_1083 : memref<100000x128xf32, #tpu.memory_space<hbm>>) target(%arg8 : memref<128x128xf32, #tpu.memory_space<vmem>>) offsets(%dma_start3A_1080 : memref<128xi32, #tpu.memory_space<vmem>>) semaphore(%arg15 : memref<!tpu.dma_semaphore, #tpu.memory_space<semaphore_mem>>)
      %add3A_1084 = arith.constant 3 : i32
      %add3A_1085 = arith.addi %add3A_692, %add3A_1084 : i32
      %dma_wait3A_1086 = arith.constant 0 : i32
      %dma_wait3A_1087 = arith.constant 0 : i32
      %dma_wait3A_1088 = tpu.memref_slice %arg3[%dma_wait3A_1086, %dma_wait3A_1087] : memref<100000x128xf32, #tpu.memory_space<hbm>> -> memref<128x128xf32, #tpu.memory_space<hbm>>
      %dma_wait3A_1089 = arith.constant 0 : i32
      %dma_wait3A_1090 = arith.constant 0 : i32
      %dma_wait3A_1091 = tpu.memref_slice %arg3[%dma_wait3A_1089, %dma_wait3A_1090] : memref<100000x128xf32, #tpu.memory_space<hbm>> -> memref<128x128xf32, #tpu.memory_space<hbm>>
      tpu.wait_dma2 semaphore(%arg13 : memref<!tpu.dma_semaphore, #tpu.memory_space<semaphore_mem>>) src(%dma_wait3A_1091 : memref<128x128xf32, #tpu.memory_space<hbm>>) dst(%arg6 : memref<128x128xf32, #tpu.memory_space<vmem>>)
      %mul3A_1092 = arith.constant 6 : i32
      %mul3A_1093 = arith.muli %mul3A_1092, %add3A : i32
      %jit3A_1094 = arith.constant 8 : i32
      %div3A_1095 = arith.divsi %add3A_1085, %jit3A_1094 : i32
      %sign3A_1096 = arith.constant 0 : i32
      %sign3A_1097 = arith.cmpi sgt, %add3A_1085, %sign3A_1096 : i32
      %sign3A_1098 = arith.extui %sign3A_1097 : i1 to i32
      %sign3A_1099 = arith.constant 0 : i32
      %sign3A_1100 = arith.cmpi slt, %add3A_1085, %sign3A_1099 : i32
      %sign3A_1101 = arith.extui %sign3A_1100 : i1 to i32
      %sign3A_1102 = arith.subi %sign3A_1098, %sign3A_1101 : i32
      %sign3A_1103 = arith.constant 0 : i32
      %sign3A_1104 = arith.cmpi sgt, %jit3A_1094, %sign3A_1103 : i32
      %sign3A_1105 = arith.extui %sign3A_1104 : i1 to i32
      %sign3A_1106 = arith.constant 0 : i32
      %sign3A_1107 = arith.cmpi slt, %jit3A_1094, %sign3A_1106 : i32
      %sign3A_1108 = arith.extui %sign3A_1107 : i1 to i32
      %sign3A_1109 = arith.subi %sign3A_1105, %sign3A_1108 : i32
      %ne3A_1110 = arith.cmpi ne, %sign3A_1102, %sign3A_1109 : i32
      %rem3A_1111 = arith.remsi %add3A_1085, %jit3A_1094 : i32
      %ne3A_1112 = arith.constant 0 : i32
      %ne3A_1113 = arith.cmpi ne, %rem3A_1111, %ne3A_1112 : i32
      %and3A_1114 = arith.andi %ne3A_1110, %ne3A_1113 : i1
      %sub3A_1115 = arith.constant 1 : i32
      %sub3A_1116 = arith.subi %div3A_1095, %sub3A_1115 : i32
      %select_n3A_1117 = arith.select %and3A_1114, %sub3A_1116, %div3A_1095 : i32
      %add3A_1118 = arith.addi %mul3A_1093, %select_n3A_1117 : i32
      %jit3A_1119 = arith.constant 32 : i32
      %div3A_1120 = arith.divsi %add3A_1118, %jit3A_1119 : i32
      %sign3A_1121 = arith.constant 0 : i32
      %sign3A_1122 = arith.cmpi sgt, %add3A_1118, %sign3A_1121 : i32
      %sign3A_1123 = arith.extui %sign3A_1122 : i1 to i32
      %sign3A_1124 = arith.constant 0 : i32
      %sign3A_1125 = arith.cmpi slt, %add3A_1118, %sign3A_1124 : i32
      %sign3A_1126 = arith.extui %sign3A_1125 : i1 to i32
      %sign3A_1127 = arith.subi %sign3A_1123, %sign3A_1126 : i32
      %sign3A_1128 = arith.constant 0 : i32
      %sign3A_1129 = arith.cmpi sgt, %jit3A_1119, %sign3A_1128 : i32
      %sign3A_1130 = arith.extui %sign3A_1129 : i1 to i32
      %sign3A_1131 = arith.constant 0 : i32
      %sign3A_1132 = arith.cmpi slt, %jit3A_1119, %sign3A_1131 : i32
      %sign3A_1133 = arith.extui %sign3A_1132 : i1 to i32
      %sign3A_1134 = arith.subi %sign3A_1130, %sign3A_1133 : i32
      %ne3A_1135 = arith.cmpi ne, %sign3A_1127, %sign3A_1134 : i32
      %rem3A_1136 = arith.remsi %add3A_1118, %jit3A_1119 : i32
      %ne3A_1137 = arith.constant 0 : i32
      %ne3A_1138 = arith.cmpi ne, %rem3A_1136, %ne3A_1137 : i32
      %and3A_1139 = arith.andi %ne3A_1135, %ne3A_1138 : i1
      %sub3A_1140 = arith.constant 1 : i32
      %sub3A_1141 = arith.subi %div3A_1120, %sub3A_1140 : i32
      %select_n3A_1142 = arith.select %and3A_1139, %sub3A_1141, %div3A_1120 : i32
      %mul3A_1143 = arith.constant 32 : i32
      %mul3A_1144 = arith.muli %select_n3A_1142, %mul3A_1143 : i32
      %sub3A_1145 = arith.subi %add3A_1118, %mul3A_1144 : i32
      %mul3A_1146 = arith.constant 8 : i32
      %mul3A_1147 = arith.muli %select_n3A_1142, %mul3A_1146 : i32
      %jit3A_1148 = arith.constant 8 : i32
      %eq3A_1149 = arith.constant 0 : i32
      %eq3A_1150 = arith.cmpi eq, %jit3A_1148, %eq3A_1149 : i32
      %jit3A_1151 = arith.constant 1 : i32
      %select_n3A_1152 = arith.select %eq3A_1150, %jit3A_1151, %jit3A_1148 : i32
      %rem3A_1153 = arith.remsi %add3A_1085, %select_n3A_1152 : i32
      %ne3A_1154 = arith.constant 0 : i32
      %ne3A_1155 = arith.cmpi ne, %rem3A_1153, %ne3A_1154 : i32
      %lt3A_1156 = arith.constant 0 : i32
      %lt3A_1157 = arith.cmpi slt, %rem3A_1153, %lt3A_1156 : i32
      %lt3A_1158 = arith.constant 0 : i32
      %lt3A_1159 = arith.cmpi slt, %select_n3A_1152, %lt3A_1158 : i32
      %ne3A_1160 = arith.xori %lt3A_1157, %lt3A_1159 : i1
      %and3A_1161 = arith.andi %ne3A_1160, %ne3A_1155 : i1
      %add3A_1162 = arith.addi %rem3A_1153, %select_n3A_1152 : i32
      %select_n3A_1163 = arith.select %and3A_1161, %add3A_1162, %rem3A_1153 : i32
      %add3A_1164 = arith.addi %mul3A_1147, %select_n3A_1163 : i32
      %mul3A_1165 = arith.constant 4096 : i32
      %mul3A_1166 = arith.muli %add3A_1164, %mul3A_1165 : i32
      %mul3A_1167 = arith.constant 128 : i32
      %mul3A_1168 = arith.muli %sub3A_1145, %mul3A_1167 : i32
      %add3A_1169 = arith.addi %mul3A_1166, %mul3A_1168 : i32
      %multiple_of3A_1170 = tpu.assume_multiple %add3A_1169, 8 : i32
      %dma_start3A_1171 = arith.constant 0 : i32
      %dma_start3A_1172 = tpu.memref_slice %arg4[%multiple_of3A_1170, %dma_start3A_1171] : memref<204800x128xf32, #tpu.memory_space<hbm>> -> memref<128x128xf32, #tpu.memory_space<hbm>>
      %dma_start3A_1173 = arith.constant 0 : i32
      %dma_start3A_1174 = tpu.memref_slice %arg4[%multiple_of3A_1170, %dma_start3A_1173] : memref<204800x128xf32, #tpu.memory_space<hbm>> -> memref<128x128xf32, #tpu.memory_space<hbm>>
      tpu.enqueue_dma source(%arg6 : memref<128x128xf32, #tpu.memory_space<vmem>>) target(%dma_start3A_1174 : memref<128x128xf32, #tpu.memory_space<hbm>>) target_semaphore(%arg18 : memref<!tpu.dma_semaphore, #tpu.memory_space<semaphore_mem>>)
      %dma_wait3A_1175 = arith.constant 0 : i32
      %dma_wait3A_1176 = arith.constant 0 : i32
      %dma_wait3A_1177 = tpu.memref_slice %arg3[%dma_wait3A_1175, %dma_wait3A_1176] : memref<100000x128xf32, #tpu.memory_space<hbm>> -> memref<128x128xf32, #tpu.memory_space<hbm>>
      %dma_wait3A_1178 = arith.constant 0 : i32
      %dma_wait3A_1179 = arith.constant 0 : i32
      %dma_wait3A_1180 = tpu.memref_slice %arg3[%dma_wait3A_1178, %dma_wait3A_1179] : memref<100000x128xf32, #tpu.memory_space<hbm>> -> memref<128x128xf32, #tpu.memory_space<hbm>>
      tpu.wait_dma2 semaphore(%arg21 : memref<!tpu.dma_semaphore, #tpu.memory_space<semaphore_mem>>) src(%dma_wait3A_1180 : memref<128x128xf32, #tpu.memory_space<hbm>>) dst(%arg9 : memref<128x128xf32, #tpu.memory_space<vmem>>)
      %add3A_1181 = arith.constant 3 : i32
      %add3A_1182 = arith.addi %add3A_1085, %add3A_1181 : i32
      %get3A_1183 = arith.index_cast %add3A_1182 : i32 to index
      %get3A_1184 = arith.constant 0 : index
      %get3A_1185 = tpu.vector_load %arg5[%get3A_1183, %get3A_1184] {strides = array<i32>} : memref<50x128xi32, #tpu.memory_space<vmem>>, vector<1x50xi32>,
      %get3A_1186 = vector.shape_cast %get3A_1185 : vector<1x50xi32> to vector<50xi32>
      %sub3A_1187 = arith.constant 30522 : i32
      %sub3A_1188 = vector.broadcast %sub3A_1187 : i32 to vector<50xi32>
      %sub3A_1189 = arith.subi %get3A_1186, %sub3A_1188 : vector<50xi32>
      %swap3A_1190 = arith.index_cast %add3A_1182 : i32 to index
      %swap3A_1191 = arith.constant 0 : index
      %swap3A_1192 = tpu.vector_load %arg5[%swap3A_1190, %swap3A_1191] {strides = array<i32>} : memref<50x128xi32, #tpu.memory_space<vmem>>, vector<1x50xi32>,
      %swap3A_1193 = vector.shape_cast %swap3A_1192 : vector<1x50xi32> to vector<50xi32>
      %swap3A_1194 = vector.shape_cast %sub3A_1189 : vector<50xi32> to vector<1x50xi32>
      tpu.vector_store %arg5[%swap3A_1190, %swap3A_1191], %swap3A_1194 {strides = array<i32>} : memref<50x128xi32, #tpu.memory_space<vmem>>, vector<1x50xi32>,
      %get3A_1195 = arith.index_cast %add3A_1182 : i32 to index
      %get3A_1196 = arith.constant 50 : index
      %get3A_1197 = tpu.vector_load %arg5[%get3A_1195, %get3A_1196] {strides = array<i32>} : memref<50x128xi32, #tpu.memory_space<vmem>>, vector<1x50xi32>,
      %get3A_1198 = vector.shape_cast %get3A_1197 : vector<1x50xi32> to vector<50xi32>
      %sub3A_1199 = arith.constant 30522 : i32
      %sub3A_1200 = vector.broadcast %sub3A_1199 : i32 to vector<50xi32>
      %sub3A_1201 = arith.subi %get3A_1198, %sub3A_1200 : vector<50xi32>
      %swap3A_1202 = arith.index_cast %add3A_1182 : i32 to index
      %swap3A_1203 = arith.constant 50 : index
      %swap3A_1204 = tpu.vector_load %arg5[%swap3A_1202, %swap3A_1203] {strides = array<i32>} : memref<50x128xi32, #tpu.memory_space<vmem>>, vector<1x50xi32>,
      %swap3A_1205 = vector.shape_cast %swap3A_1204 : vector<1x50xi32> to vector<50xi32>
      %swap3A_1206 = vector.shape_cast %sub3A_1201 : vector<50xi32> to vector<1x50xi32>
      tpu.vector_store %arg5[%swap3A_1202, %swap3A_1203], %swap3A_1206 {strides = array<i32>} : memref<50x128xi32, #tpu.memory_space<vmem>>, vector<1x50xi32>,
      %add3A_1207 = arith.constant 3 : i32
      %add3A_1208 = arith.addi %add3A_1085, %add3A_1207 : i32
      %dma_start3A_1209 = arith.constant 0 : i32
      %dma_start3A_1210 = tpu.memref_slice %arg5[%add3A_1208, %dma_start3A_1209] : memref<50x128xi32, #tpu.memory_space<vmem>> -> memref<1x128xi32, #tpu.memory_space<vmem>>
      %dma_start3A_1211 = tpu.memref_squeeze %dma_start3A_1210 : memref<1x128xi32, #tpu.memory_space<vmem>> -> memref<128xi32, #tpu.memory_space<vmem>>
      %dma_start3A_1212 = arith.constant 0 : i32
      %dma_start3A_1213 = arith.constant 0 : i32
      %dma_start3A_1214 = tpu.memref_slice %arg3[%dma_start3A_1212, %dma_start3A_1213] : memref<100000x128xf32, #tpu.memory_space<hbm>> -> memref<100000x128xf32, #tpu.memory_space<hbm>>
      tpu.enqueue_indirect_dma source(%dma_start3A_1214 : memref<100000x128xf32, #tpu.memory_space<hbm>>) target(%arg9 : memref<128x128xf32, #tpu.memory_space<vmem>>) offsets(%dma_start3A_1211 : memref<128xi32, #tpu.memory_space<vmem>>) semaphore(%arg16 : memref<!tpu.dma_semaphore, #tpu.memory_space<semaphore_mem>>)
      %add3A_1215 = arith.constant 4 : i32
      %add3A_1216 = arith.addi %add3A_692, %add3A_1215 : i32
      %dma_wait3A_1217 = arith.constant 0 : i32
      %dma_wait3A_1218 = arith.constant 0 : i32
      %dma_wait3A_1219 = tpu.memref_slice %arg3[%dma_wait3A_1217, %dma_wait3A_1218] : memref<100000x128xf32, #tpu.memory_space<hbm>> -> memref<128x128xf32, #tpu.memory_space<hbm>>
      %dma_wait3A_1220 = arith.constant 0 : i32
      %dma_wait3A_1221 = arith.constant 0 : i32
      %dma_wait3A_1222 = tpu.memref_slice %arg3[%dma_wait3A_1220, %dma_wait3A_1221] : memref<100000x128xf32, #tpu.memory_space<hbm>> -> memref<128x128xf32, #tpu.memory_space<hbm>>
      tpu.wait_dma2 semaphore(%arg14 : memref<!tpu.dma_semaphore, #tpu.memory_space<semaphore_mem>>) src(%dma_wait3A_1222 : memref<128x128xf32, #tpu.memory_space<hbm>>) dst(%arg7 : memref<128x128xf32, #tpu.memory_space<vmem>>)
      %mul3A_1223 = arith.constant 6 : i32
      %mul3A_1224 = arith.muli %mul3A_1223, %add3A : i32
      %jit3A_1225 = arith.constant 8 : i32
      %div3A_1226 = arith.divsi %add3A_1216, %jit3A_1225 : i32
      %sign3A_1227 = arith.constant 0 : i32
      %sign3A_1228 = arith.cmpi sgt, %add3A_1216, %sign3A_1227 : i32
      %sign3A_1229 = arith.extui %sign3A_1228 : i1 to i32
      %sign3A_1230 = arith.constant 0 : i32
      %sign3A_1231 = arith.cmpi slt, %add3A_1216, %sign3A_1230 : i32
      %sign3A_1232 = arith.extui %sign3A_1231 : i1 to i32
      %sign3A_1233 = arith.subi %sign3A_1229, %sign3A_1232 : i32
      %sign3A_1234 = arith.constant 0 : i32
      %sign3A_1235 = arith.cmpi sgt, %jit3A_1225, %sign3A_1234 : i32
      %sign3A_1236 = arith.extui %sign3A_1235 : i1 to i32
      %sign3A_1237 = arith.constant 0 : i32
      %sign3A_1238 = arith.cmpi slt, %jit3A_1225, %sign3A_1237 : i32
      %sign3A_1239 = arith.extui %sign3A_1238 : i1 to i32
      %sign3A_1240 = arith.subi %sign3A_1236, %sign3A_1239 : i32
      %ne3A_1241 = arith.cmpi ne, %sign3A_1233, %sign3A_1240 : i32
      %rem3A_1242 = arith.remsi %add3A_1216, %jit3A_1225 : i32
      %ne3A_1243 = arith.constant 0 : i32
      %ne3A_1244 = arith.cmpi ne, %rem3A_1242, %ne3A_1243 : i32
      %and3A_1245 = arith.andi %ne3A_1241, %ne3A_1244 : i1
      %sub3A_1246 = arith.constant 1 : i32
      %sub3A_1247 = arith.subi %div3A_1226, %sub3A_1246 : i32
      %select_n3A_1248 = arith.select %and3A_1245, %sub3A_1247, %div3A_1226 : i32
      %add3A_1249 = arith.addi %mul3A_1224, %select_n3A_1248 : i32
      %jit3A_1250 = arith.constant 32 : i32
      %div3A_1251 = arith.divsi %add3A_1249, %jit3A_1250 : i32
      %sign3A_1252 = arith.constant 0 : i32
      %sign3A_1253 = arith.cmpi sgt, %add3A_1249, %sign3A_1252 : i32
      %sign3A_1254 = arith.extui %sign3A_1253 : i1 to i32
      %sign3A_1255 = arith.constant 0 : i32
      %sign3A_1256 = arith.cmpi slt, %add3A_1249, %sign3A_1255 : i32
      %sign3A_1257 = arith.extui %sign3A_1256 : i1 to i32
      %sign3A_1258 = arith.subi %sign3A_1254, %sign3A_1257 : i32
      %sign3A_1259 = arith.constant 0 : i32
      %sign3A_1260 = arith.cmpi sgt, %jit3A_1250, %sign3A_1259 : i32
      %sign3A_1261 = arith.extui %sign3A_1260 : i1 to i32
      %sign3A_1262 = arith.constant 0 : i32
      %sign3A_1263 = arith.cmpi slt, %jit3A_1250, %sign3A_1262 : i32
      %sign3A_1264 = arith.extui %sign3A_1263 : i1 to i32
      %sign3A_1265 = arith.subi %sign3A_1261, %sign3A_1264 : i32
      %ne3A_1266 = arith.cmpi ne, %sign3A_1258, %sign3A_1265 : i32
      %rem3A_1267 = arith.remsi %add3A_1249, %jit3A_1250 : i32
      %ne3A_1268 = arith.constant 0 : i32
      %ne3A_1269 = arith.cmpi ne, %rem3A_1267, %ne3A_1268 : i32
      %and3A_1270 = arith.andi %ne3A_1266, %ne3A_1269 : i1
      %sub3A_1271 = arith.constant 1 : i32
      %sub3A_1272 = arith.subi %div3A_1251, %sub3A_1271 : i32
      %select_n3A_1273 = arith.select %and3A_1270, %sub3A_1272, %div3A_1251 : i32
      %mul3A_1274 = arith.constant 32 : i32
      %mul3A_1275 = arith.muli %select_n3A_1273, %mul3A_1274 : i32
      %sub3A_1276 = arith.subi %add3A_1249, %mul3A_1275 : i32
      %mul3A_1277 = arith.constant 8 : i32
      %mul3A_1278 = arith.muli %select_n3A_1273, %mul3A_1277 : i32
      %jit3A_1279 = arith.constant 8 : i32
      %eq3A_1280 = arith.constant 0 : i32
      %eq3A_1281 = arith.cmpi eq, %jit3A_1279, %eq3A_1280 : i32
      %jit3A_1282 = arith.constant 1 : i32
      %select_n3A_1283 = arith.select %eq3A_1281, %jit3A_1282, %jit3A_1279 : i32
      %rem3A_1284 = arith.remsi %add3A_1216, %select_n3A_1283 : i32
      %ne3A_1285 = arith.constant 0 : i32
      %ne3A_1286 = arith.cmpi ne, %rem3A_1284, %ne3A_1285 : i32
      %lt3A_1287 = arith.constant 0 : i32
      %lt3A_1288 = arith.cmpi slt, %rem3A_1284, %lt3A_1287 : i32
      %lt3A_1289 = arith.constant 0 : i32
      %lt3A_1290 = arith.cmpi slt, %select_n3A_1283, %lt3A_1289 : i32
      %ne3A_1291 = arith.xori %lt3A_1288, %lt3A_1290 : i1
      %and3A_1292 = arith.andi %ne3A_1291, %ne3A_1286 : i1
      %add3A_1293 = arith.addi %rem3A_1284, %select_n3A_1283 : i32
      %select_n3A_1294 = arith.select %and3A_1292, %add3A_1293, %rem3A_1284 : i32
      %add3A_1295 = arith.addi %mul3A_1278, %select_n3A_1294 : i32
      %mul3A_1296 = arith.constant 4096 : i32
      %mul3A_1297 = arith.muli %add3A_1295, %mul3A_1296 : i32
      %mul3A_1298 = arith.constant 128 : i32
      %mul3A_1299 = arith.muli %sub3A_1276, %mul3A_1298 : i32
      %add3A_1300 = arith.addi %mul3A_1297, %mul3A_1299 : i32
      %multiple_of3A_1301 = tpu.assume_multiple %add3A_1300, 8 : i32
      %dma_start3A_1302 = arith.constant 0 : i32
      %dma_start3A_1303 = tpu.memref_slice %arg4[%multiple_of3A_1301, %dma_start3A_1302] : memref<204800x128xf32, #tpu.memory_space<hbm>> -> memref<128x128xf32, #tpu.memory_space<hbm>>
      %dma_start3A_1304 = arith.constant 0 : i32
      %dma_start3A_1305 = tpu.memref_slice %arg4[%multiple_of3A_1301, %dma_start3A_1304] : memref<204800x128xf32, #tpu.memory_space<hbm>> -> memref<128x128xf32, #tpu.memory_space<hbm>>
      tpu.enqueue_dma source(%arg7 : memref<128x128xf32, #tpu.memory_space<vmem>>) target(%dma_start3A_1305 : memref<128x128xf32, #tpu.memory_space<hbm>>) target_semaphore(%arg19 : memref<!tpu.dma_semaphore, #tpu.memory_space<semaphore_mem>>)
      %dma_wait3A_1306 = arith.constant 0 : i32
      %dma_wait3A_1307 = arith.constant 0 : i32
      %dma_wait3A_1308 = tpu.memref_slice %arg3[%dma_wait3A_1306, %dma_wait3A_1307] : memref<100000x128xf32, #tpu.memory_space<hbm>> -> memref<128x128xf32, #tpu.memory_space<hbm>>
      %dma_wait3A_1309 = arith.constant 0 : i32
      %dma_wait3A_1310 = arith.constant 0 : i32
      %dma_wait3A_1311 = tpu.memref_slice %arg3[%dma_wait3A_1309, %dma_wait3A_1310] : memref<100000x128xf32, #tpu.memory_space<hbm>> -> memref<128x128xf32, #tpu.memory_space<hbm>>
      tpu.wait_dma2 semaphore(%arg22 : memref<!tpu.dma_semaphore, #tpu.memory_space<semaphore_mem>>) src(%dma_wait3A_1311 : memref<128x128xf32, #tpu.memory_space<hbm>>) dst(%arg10 : memref<128x128xf32, #tpu.memory_space<vmem>>)
      %add3A_1312 = arith.constant 3 : i32
      %add3A_1313 = arith.addi %add3A_1216, %add3A_1312 : i32
      %get3A_1314 = arith.index_cast %add3A_1313 : i32 to index
      %get3A_1315 = arith.constant 0 : index
      %get3A_1316 = tpu.vector_load %arg5[%get3A_1314, %get3A_1315] {strides = array<i32>} : memref<50x128xi32, #tpu.memory_space<vmem>>, vector<1x50xi32>,
      %get3A_1317 = vector.shape_cast %get3A_1316 : vector<1x50xi32> to vector<50xi32>
      %sub3A_1318 = arith.constant 30522 : i32
      %sub3A_1319 = vector.broadcast %sub3A_1318 : i32 to vector<50xi32>
      %sub3A_1320 = arith.subi %get3A_1317, %sub3A_1319 : vector<50xi32>
      %swap3A_1321 = arith.index_cast %add3A_1313 : i32 to index
      %swap3A_1322 = arith.constant 0 : index
      %swap3A_1323 = tpu.vector_load %arg5[%swap3A_1321, %swap3A_1322] {strides = array<i32>} : memref<50x128xi32, #tpu.memory_space<vmem>>, vector<1x50xi32>,
      %swap3A_1324 = vector.shape_cast %swap3A_1323 : vector<1x50xi32> to vector<50xi32>
      %swap3A_1325 = vector.shape_cast %sub3A_1320 : vector<50xi32> to vector<1x50xi32>
      tpu.vector_store %arg5[%swap3A_1321, %swap3A_1322], %swap3A_1325 {strides = array<i32>} : memref<50x128xi32, #tpu.memory_space<vmem>>, vector<1x50xi32>,
      %get3A_1326 = arith.index_cast %add3A_1313 : i32 to index
      %get3A_1327 = arith.constant 50 : index
      %get3A_1328 = tpu.vector_load %arg5[%get3A_1326, %get3A_1327] {strides = array<i32>} : memref<50x128xi32, #tpu.memory_space<vmem>>, vector<1x50xi32>,
      %get3A_1329 = vector.shape_cast %get3A_1328 : vector<1x50xi32> to vector<50xi32>
      %sub3A_1330 = arith.constant 30522 : i32
      %sub3A_1331 = vector.broadcast %sub3A_1330 : i32 to vector<50xi32>
      %sub3A_1332 = arith.subi %get3A_1329, %sub3A_1331 : vector<50xi32>
      %swap3A_1333 = arith.index_cast %add3A_1313 : i32 to index
      %swap3A_1334 = arith.constant 50 : index
      %swap3A_1335 = tpu.vector_load %arg5[%swap3A_1333, %swap3A_1334] {strides = array<i32>} : memref<50x128xi32, #tpu.memory_space<vmem>>, vector<1x50xi32>,
      %swap3A_1336 = vector.shape_cast %swap3A_1335 : vector<1x50xi32> to vector<50xi32>
      %swap3A_1337 = vector.shape_cast %sub3A_1332 : vector<50xi32> to vector<1x50xi32>
      tpu.vector_store %arg5[%swap3A_1333, %swap3A_1334], %swap3A_1337 {strides = array<i32>} : memref<50x128xi32, #tpu.memory_space<vmem>>, vector<1x50xi32>,
      %add3A_1338 = arith.constant 3 : i32
      %add3A_1339 = arith.addi %add3A_1216, %add3A_1338 : i32
      %dma_start3A_1340 = arith.constant 0 : i32
      %dma_start3A_1341 = tpu.memref_slice %arg5[%add3A_1339, %dma_start3A_1340] : memref<50x128xi32, #tpu.memory_space<vmem>> -> memref<1x128xi32, #tpu.memory_space<vmem>>
      %dma_start3A_1342 = tpu.memref_squeeze %dma_start3A_1341 : memref<1x128xi32, #tpu.memory_space<vmem>> -> memref<128xi32, #tpu.memory_space<vmem>>
      %dma_start3A_1343 = arith.constant 0 : i32
      %dma_start3A_1344 = arith.constant 0 : i32
      %dma_start3A_1345 = tpu.memref_slice %arg3[%dma_start3A_1343, %dma_start3A_1344] : memref<100000x128xf32, #tpu.memory_space<hbm>> -> memref<100000x128xf32, #tpu.memory_space<hbm>>
      tpu.enqueue_indirect_dma source(%dma_start3A_1345 : memref<100000x128xf32, #tpu.memory_space<hbm>>) target(%arg10 : memref<128x128xf32, #tpu.memory_space<vmem>>) offsets(%dma_start3A_1342 : memref<128xi32, #tpu.memory_space<vmem>>) semaphore(%arg17 : memref<!tpu.dma_semaphore, #tpu.memory_space<semaphore_mem>>)
    }
    %scan3A_576 = arith.constant 9 : i32
    %dma_wait3A_577 = arith.constant 0 : i32
    %dma_wait3A_578 = arith.constant 0 : i32
    %dma_wait3A_579 = tpu.memref_slice %arg3[%dma_wait3A_577, %dma_wait3A_578] : memref<100000x128xf32, #tpu.memory_space<hbm>> -> memref<128x128xf32, #tpu.memory_space<hbm>>
    %dma_wait3A_580 = arith.constant 0 : i32
    %dma_wait3A_581 = arith.constant 0 : i32
    %dma_wait3A_582 = tpu.memref_slice %arg3[%dma_wait3A_580, %dma_wait3A_581] : memref<100000x128xf32, #tpu.memory_space<hbm>> -> memref<128x128xf32, #tpu.memory_space<hbm>>
    tpu.wait_dma2 semaphore(%arg15 : memref<!tpu.dma_semaphore, #tpu.memory_space<semaphore_mem>>) src(%dma_wait3A_582 : memref<128x128xf32, #tpu.memory_space<hbm>>) dst(%arg8 : memref<128x128xf32, #tpu.memory_space<vmem>>)
    %mul3A_583 = arith.constant 6 : i32
    %mul3A_584 = arith.muli %mul3A_583, %add3A : i32
    %add3A_585 = arith.constant 5 : i32
    %add3A_586 = arith.addi %mul3A_584, %add3A_585 : i32
    %jit3A_587 = arith.constant 32 : i32
    %div3A_588 = arith.divsi %add3A_586, %jit3A_587 : i32
    %sign3A_589 = arith.constant 0 : i32
    %sign3A_590 = arith.cmpi sgt, %add3A_586, %sign3A_589 : i32
    %sign3A_591 = arith.extui %sign3A_590 : i1 to i32
    %sign3A_592 = arith.constant 0 : i32
    %sign3A_593 = arith.cmpi slt, %add3A_586, %sign3A_592 : i32
    %sign3A_594 = arith.extui %sign3A_593 : i1 to i32
    %sign3A_595 = arith.subi %sign3A_591, %sign3A_594 : i32
    %sign3A_596 = arith.constant 0 : i32
    %sign3A_597 = arith.cmpi sgt, %jit3A_587, %sign3A_596 : i32
    %sign3A_598 = arith.extui %sign3A_597 : i1 to i32
    %sign3A_599 = arith.constant 0 : i32
    %sign3A_600 = arith.cmpi slt, %jit3A_587, %sign3A_599 : i32
    %sign3A_601 = arith.extui %sign3A_600 : i1 to i32
    %sign3A_602 = arith.subi %sign3A_598, %sign3A_601 : i32
    %ne3A_603 = arith.cmpi ne, %sign3A_595, %sign3A_602 : i32
    %rem3A_604 = arith.remsi %add3A_586, %jit3A_587 : i32
    %ne3A_605 = arith.constant 0 : i32
    %ne3A_606 = arith.cmpi ne, %rem3A_604, %ne3A_605 : i32
    %and3A_607 = arith.andi %ne3A_603, %ne3A_606 : i1
    %sub3A_608 = arith.constant 1 : i32
    %sub3A_609 = arith.subi %div3A_588, %sub3A_608 : i32
    %select_n3A_610 = arith.select %and3A_607, %sub3A_609, %div3A_588 : i32
    %mul3A_611 = arith.constant 32 : i32
    %mul3A_612 = arith.muli %select_n3A_610, %mul3A_611 : i32
    %sub3A_613 = arith.subi %add3A_586, %mul3A_612 : i32
    %mul3A_614 = arith.constant 8 : i32
    %mul3A_615 = arith.muli %select_n3A_610, %mul3A_614 : i32
    %add3A_616 = arith.constant 7 : i32
    %add3A_617 = arith.addi %mul3A_615, %add3A_616 : i32
    %mul3A_618 = arith.constant 4096 : i32
    %mul3A_619 = arith.muli %add3A_617, %mul3A_618 : i32
    %mul3A_620 = arith.constant 128 : i32
    %mul3A_621 = arith.muli %sub3A_613, %mul3A_620 : i32
    %add3A_622 = arith.addi %mul3A_619, %mul3A_621 : i32
    %multiple_of3A_623 = tpu.assume_multiple %add3A_622, 8 : i32
    %dma_start3A_624 = arith.constant 0 : i32
    %dma_start3A_625 = tpu.memref_slice %arg4[%multiple_of3A_623, %dma_start3A_624] : memref<204800x128xf32, #tpu.memory_space<hbm>> -> memref<128x128xf32, #tpu.memory_space<hbm>>
    %dma_start3A_626 = arith.constant 0 : i32
    %dma_start3A_627 = tpu.memref_slice %arg4[%multiple_of3A_623, %dma_start3A_626] : memref<204800x128xf32, #tpu.memory_space<hbm>> -> memref<128x128xf32, #tpu.memory_space<hbm>>
    tpu.enqueue_dma source(%arg8 : memref<128x128xf32, #tpu.memory_space<vmem>>) target(%dma_start3A_627 : memref<128x128xf32, #tpu.memory_space<hbm>>) target_semaphore(%arg20 : memref<!tpu.dma_semaphore, #tpu.memory_space<semaphore_mem>>)
    %dma_wait3A_628 = arith.constant 0 : i32
    %dma_wait3A_629 = arith.constant 0 : i32
    %dma_wait3A_630 = tpu.memref_slice %arg3[%dma_wait3A_628, %dma_wait3A_629] : memref<100000x128xf32, #tpu.memory_space<hbm>> -> memref<128x128xf32, #tpu.memory_space<hbm>>
    %dma_wait3A_631 = arith.constant 0 : i32
    %dma_wait3A_632 = arith.constant 0 : i32
    %dma_wait3A_633 = tpu.memref_slice %arg3[%dma_wait3A_631, %dma_wait3A_632] : memref<100000x128xf32, #tpu.memory_space<hbm>> -> memref<128x128xf32, #tpu.memory_space<hbm>>
    tpu.wait_dma2 semaphore(%arg18 : memref<!tpu.dma_semaphore, #tpu.memory_space<semaphore_mem>>) src(%dma_wait3A_633 : memref<128x128xf32, #tpu.memory_space<hbm>>) dst(%arg6 : memref<128x128xf32, #tpu.memory_space<vmem>>)
    %dma_wait3A_634 = arith.constant 0 : i32
    %dma_wait3A_635 = arith.constant 0 : i32
    %dma_wait3A_636 = tpu.memref_slice %arg3[%dma_wait3A_634, %dma_wait3A_635] : memref<100000x128xf32, #tpu.memory_space<hbm>> -> memref<128x128xf32, #tpu.memory_space<hbm>>
    %dma_wait3A_637 = arith.constant 0 : i32
    %dma_wait3A_638 = arith.constant 0 : i32
    %dma_wait3A_639 = tpu.memref_slice %arg3[%dma_wait3A_637, %dma_wait3A_638] : memref<100000x128xf32, #tpu.memory_space<hbm>> -> memref<128x128xf32, #tpu.memory_space<hbm>>
    tpu.wait_dma2 semaphore(%arg16 : memref<!tpu.dma_semaphore, #tpu.memory_space<semaphore_mem>>) src(%dma_wait3A_639 : memref<128x128xf32, #tpu.memory_space<hbm>>) dst(%arg9 : memref<128x128xf32, #tpu.memory_space<vmem>>)
    %mul3A_640 = arith.constant 128 : i32
    %mul3A_641 = arith.muli %add3A, %mul3A_640 : i32
    %add3A_642 = arith.constant 196608 : i32
    %add3A_643 = arith.addi %add3A_642, %mul3A_641 : i32
    %multiple_of3A_644 = tpu.assume_multiple %add3A_643, 8 : i32
    %dma_start3A_645 = arith.constant 0 : i32
    %dma_start3A_646 = tpu.memref_slice %arg4[%multiple_of3A_644, %dma_start3A_645] : memref<204800x128xf32, #tpu.memory_space<hbm>> -> memref<128x128xf32, #tpu.memory_space<hbm>>
    %dma_start3A_647 = arith.constant 0 : i32
    %dma_start3A_648 = tpu.memref_slice %arg4[%multiple_of3A_644, %dma_start3A_647] : memref<204800x128xf32, #tpu.memory_space<hbm>> -> memref<128x128xf32, #tpu.memory_space<hbm>>
    tpu.enqueue_dma source(%arg9 : memref<128x128xf32, #tpu.memory_space<vmem>>) target(%dma_start3A_648 : memref<128x128xf32, #tpu.memory_space<hbm>>) target_semaphore(%arg21 : memref<!tpu.dma_semaphore, #tpu.memory_space<semaphore_mem>>)
    %dma_wait3A_649 = arith.constant 0 : i32
    %dma_wait3A_650 = arith.constant 0 : i32
    %dma_wait3A_651 = tpu.memref_slice %arg3[%dma_wait3A_649, %dma_wait3A_650] : memref<100000x128xf32, #tpu.memory_space<hbm>> -> memref<128x128xf32, #tpu.memory_space<hbm>>
    %dma_wait3A_652 = arith.constant 0 : i32
    %dma_wait3A_653 = arith.constant 0 : i32
    %dma_wait3A_654 = tpu.memref_slice %arg3[%dma_wait3A_652, %dma_wait3A_653] : memref<100000x128xf32, #tpu.memory_space<hbm>> -> memref<128x128xf32, #tpu.memory_space<hbm>>
    tpu.wait_dma2 semaphore(%arg19 : memref<!tpu.dma_semaphore, #tpu.memory_space<semaphore_mem>>) src(%dma_wait3A_654 : memref<128x128xf32, #tpu.memory_space<hbm>>) dst(%arg7 : memref<128x128xf32, #tpu.memory_space<vmem>>)
    %dma_wait3A_655 = arith.constant 0 : i32
    %dma_wait3A_656 = arith.constant 0 : i32
    %dma_wait3A_657 = tpu.memref_slice %arg3[%dma_wait3A_655, %dma_wait3A_656] : memref<100000x128xf32, #tpu.memory_space<hbm>> -> memref<128x128xf32, #tpu.memory_space<hbm>>
    %dma_wait3A_658 = arith.constant 0 : i32
    %dma_wait3A_659 = arith.constant 0 : i32
    %dma_wait3A_660 = tpu.memref_slice %arg3[%dma_wait3A_658, %dma_wait3A_659] : memref<100000x128xf32, #tpu.memory_space<hbm>> -> memref<128x128xf32, #tpu.memory_space<hbm>>
    tpu.wait_dma2 semaphore(%arg17 : memref<!tpu.dma_semaphore, #tpu.memory_space<semaphore_mem>>) src(%dma_wait3A_660 : memref<128x128xf32, #tpu.memory_space<hbm>>) dst(%arg10 : memref<128x128xf32, #tpu.memory_space<vmem>>)
    %mul3A_661 = arith.constant 128 : i32
    %mul3A_662 = arith.muli %add3A, %mul3A_661 : i32
    %add3A_663 = arith.constant 200704 : i32
    %add3A_664 = arith.addi %add3A_663, %mul3A_662 : i32
    %multiple_of3A_665 = tpu.assume_multiple %add3A_664, 8 : i32
    %dma_start3A_666 = arith.constant 0 : i32
    %dma_start3A_667 = tpu.memref_slice %arg4[%multiple_of3A_665, %dma_start3A_666] : memref<204800x128xf32, #tpu.memory_space<hbm>> -> memref<128x128xf32, #tpu.memory_space<hbm>>
    %dma_start3A_668 = arith.constant 0 : i32
    %dma_start3A_669 = tpu.memref_slice %arg4[%multiple_of3A_665, %dma_start3A_668] : memref<204800x128xf32, #tpu.memory_space<hbm>> -> memref<128x128xf32, #tpu.memory_space<hbm>>
    tpu.enqueue_dma source(%arg10 : memref<128x128xf32, #tpu.memory_space<vmem>>) target(%dma_start3A_669 : memref<128x128xf32, #tpu.memory_space<hbm>>) target_semaphore(%arg22 : memref<!tpu.dma_semaphore, #tpu.memory_space<semaphore_mem>>)
    %dma_wait3A_670 = arith.constant 0 : i32
    %dma_wait3A_671 = arith.constant 0 : i32
    %dma_wait3A_672 = tpu.memref_slice %arg3[%dma_wait3A_670, %dma_wait3A_671] : memref<100000x128xf32, #tpu.memory_space<hbm>> -> memref<128x128xf32, #tpu.memory_space<hbm>>
    %dma_wait3A_673 = arith.constant 0 : i32
    %dma_wait3A_674 = arith.constant 0 : i32
    %dma_wait3A_675 = tpu.memref_slice %arg3[%dma_wait3A_673, %dma_wait3A_674] : memref<100000x128xf32, #tpu.memory_space<hbm>> -> memref<128x128xf32, #tpu.memory_space<hbm>>
    tpu.wait_dma2 semaphore(%arg20 : memref<!tpu.dma_semaphore, #tpu.memory_space<semaphore_mem>>) src(%dma_wait3A_675 : memref<128x128xf32, #tpu.memory_space<hbm>>) dst(%arg8 : memref<128x128xf32, #tpu.memory_space<vmem>>)
    %dma_wait3A_676 = arith.constant 0 : i32
    %dma_wait3A_677 = arith.constant 0 : i32
    %dma_wait3A_678 = tpu.memref_slice %arg3[%dma_wait3A_676, %dma_wait3A_677] : memref<100000x128xf32, #tpu.memory_space<hbm>> -> memref<128x128xf32, #tpu.memory_space<hbm>>
    %dma_wait3A_679 = arith.constant 0 : i32
    %dma_wait3A_680 = arith.constant 0 : i32
    %dma_wait3A_681 = tpu.memref_slice %arg3[%dma_wait3A_679, %dma_wait3A_680] : memref<100000x128xf32, #tpu.memory_space<hbm>> -> memref<128x128xf32, #tpu.memory_space<hbm>>
    tpu.wait_dma2 semaphore(%arg21 : memref<!tpu.dma_semaphore, #tpu.memory_space<semaphore_mem>>) src(%dma_wait3A_681 : memref<128x128xf32, #tpu.memory_space<hbm>>) dst(%arg9 : memref<128x128xf32, #tpu.memory_space<vmem>>)
    %dma_wait3A_682 = arith.constant 0 : i32
    %dma_wait3A_683 = arith.constant 0 : i32
    %dma_wait3A_684 = tpu.memref_slice %arg3[%dma_wait3A_682, %dma_wait3A_683] : memref<100000x128xf32, #tpu.memory_space<hbm>> -> memref<128x128xf32, #tpu.memory_space<hbm>>
    %dma_wait3A_685 = arith.constant 0 : i32
    %dma_wait3A_686 = arith.constant 0 : i32
    %dma_wait3A_687 = tpu.memref_slice %arg3[%dma_wait3A_685, %dma_wait3A_686] : memref<100000x128xf32, #tpu.memory_space<hbm>> -> memref<128x128xf32, #tpu.memory_space<hbm>>
    tpu.wait_dma2 semaphore(%arg22 : memref<!tpu.dma_semaphore, #tpu.memory_space<semaphore_mem>>) src(%dma_wait3A_687 : memref<128x128xf32, #tpu.memory_space<hbm>>) dst(%arg10 : memref<128x128xf32, #tpu.memory_space<vmem>>)
    return
  }
}

</mosaic_0001>

<sc_bundles>
// kernel: kernel.3.cloned.1.call-start
scs
__scs_entry_jumppad:
0x0: {  	(pc) =	sbr.rel $0x88, $3  }
0x1: {  	(tag) =	ssettag $0x0;
	lr =	simm.s32 $0x1  }
0x2: {  	[smem:$0x3F9F] =	sst lr;
	_ =	strace $0xD0000000  }
0x3: {  	_ = 	snop  }
0x4: {  	_ = 	snop  }
0x5: {  	_ = 	snop  }
0x6: {  	_ = 	snop  }
0x7: {  	_ = 	snop  }
__scs_overlays_trampoline_lowered:
0x8: {  	[smem:$0x3FAE] =	sst s0  }
0x9: {  	[smem:$0x3FAF] =	sst s1  }
0xa: {  	[smem:$0x3FB0] =	sst s2  }
0xb: {  	[smem:$0x3FB1] =	sst s3  }
0xc: {  	[smem:$0x3FB2] =	sst s4  }
0xd: {  	[smem:$0x3FB3] =	sst s5  }
0xe: {  	[smem:$0x3FB4] =	sst s6  }
0xf: {  	[smem:$0x3FB5] =	sst s7  }
0x10: {  	[smem:$0x3FB6] =	sst s8  }
0x11: {  	[smem:$0x3FB7] =	sst s9;
	s0 =	simm.s32 @!p0 $0x0  }
0x12: {  	s1 =	sld [smem:$0x3F9D];
	s0 =	simm.s32 @p0 $0x1  }
0x13: {  	[smem:$0x3FB8] =	sst s0;
	s0 =	simm.s32 @!p1 $0x0  }
0x14: {  	s2 =	sld [smem:$0x3F9C];
	s0 =	simm.s32 @p1 $0x1  }
0x15: {  	[smem:$0x3FB9] =	sst s0;
	s0 =	simm.s32 @!p2 $0x0  }
0x16: {  	s3 =	sld [smem:$0x3FDB];
	s0 =	simm.s32 @p2 $0x1  }
0x17: {  	s4 =	simm.s32 $0x1BF5;
	[smem:$0x3FBB] =	sst s0  }
0x18: {  	s0 =	sld [smem:$0x3F9E];
	_ =	swait.ge [sflag:s4], $0x0  }
0x19: {  	s7 =	sld [smem:$0x3F9F]  }
0x1a: {  	s8 =	sadd.s32 $0xFFFFE003, lr  }
0x1b: {  	s9 =	sadd.s32 $0xFFFFFEF7, lr;
	s5 =	simm.s32 $0xFFFFFFFF;
	p2 =	slt.u32 s8, $0xFFFFF086  }
0x1c: {  	p1 =	slt.u32 s9, $0xF7A;
	s5 =	simm.s32 @!p2 $0x0  }
0x1d: {  	s5 =	simm.s32 @p1 $0x1;
	p0 =	seq.s32 s7, s2  }
0x1e: {  	s7 =	smul.u32 @!p0 $0xF7A, s2;
	p2 =	seq.s32 @!p0 s5, $0x0  }
0x1f: {  	s9 =	smul.u32 $0xF7A, s1;
	s8 =	simm.s32 @!p0 $0x1BF5;
	p2 =	por !p2, p0  }
0x20: {  	[sflag:s8] =	ssyncset.s32 @!p0 $0xFFFFF086;
	s6 =	sadd.s32 @!p0 s3, s7;
	s7 =	simm.s32 @!p0 $0x108  }
0x21: {  	s3 =	sadd.s32 s3, s9;
	s6 =	sadd.s32 @!p0 $0x88, s6;
	s7 =	simm.s32 @p2 $0x1082  }
0x22: {  	[simem:s7], [sflag:s8] =	dma.local @!p0 [hbm:s6], $0xF7A  }
0x23: {  	s9 =	sor.u32 $0xD0000000, s2;
	s6 =	simm.s32 $0x108;
	_ =	swait.ge @!p0 [sflag:s8], $0x0  }
0x24: {  	s3 =	sadd.s32 $0x88, s3;
	s6 =	simm.s32 @!p1 $0x1082;
	[sflag:s4] =	ssyncset.s32 $0xFFFFF086  }
0x25: {  	[simem:s6], [sflag:s4] =	dma.local [hbm:s3], $0xF7A  }
0x26: {  	[smem:$0x3F9F] =	sst s1;
	(tag) =	ssettag s2;
	_ =	strace s9  }
0x27: {  	s1 =	sld [smem:$0x3FAF]  }
0x28: {  	s2 =	sld [smem:$0x3FB0]  }
0x29: {  	s4 =	sld [smem:$0x3FB2]  }
0x2a: {  	p0 =	seq.s32 s5, $0x0;
	s5 =	sld [smem:$0x3FB3]  }
0x2b: {  	s6 =	sld [smem:$0x3FB4]  }
0x2c: {  	s7 =	sld [smem:$0x3FB5]  }
0x2d: {  	s3 =	simm.s32 $0x108;
	s8 =	sld [smem:$0x3FB6]  }
0x2e: {  	s3 =	simm.s32 @!p0 $0x1082;
	s9 =	sld [smem:$0x3FB7]  }
0x2f: {  	lr =	sadd.s32 s0, s3;
	s0 =	sld [smem:$0x3FAE]  }
0x30: {  	s3 =	sld [smem:$0x3FB1]  }
0x31: {  	[smem:$0x3FBA] =	sst s10  }
0x32: {  	s10 =	sld [smem:$0x3FB8];
	_ =	sdelay $0x3  }
0x33: {  	p0 =	seq.s32 s10, $0x1;
	s10 =	sld [smem:$0x3FBA];
	_ =	sdelay $0x3  }
0x34: {  	[smem:$0x3FBA] =	sst s10  }
0x35: {  	s10 =	sld [smem:$0x3FB9];
	_ =	sdelay $0x3  }
0x36: {  	p1 =	seq.s32 s10, $0x1;
	s10 =	sld [smem:$0x3FBA];
	_ =	sdelay $0x3  }
0x37: {  	[smem:$0x3FBA] =	sst s10  }
0x38: {  	s10 =	sld [smem:$0x3FBB]  }
0x39: {  	_ = 	snop;
	(pc) =	sbr.ind lr, $3  }
0x3a: {  	_ = 	snop  }
0x3b: {  	_ = 	snop  }
0x3c: {  	p2 =	seq.s32 s10, $0x1;
	s10 =	sld [smem:$0x3FBA]  }
0x3d: {  	_ =	shalt  }
0x3e: {  	_ =	shalt  }
0x3f: {  	_ =	shalt  }
0x40: {  	_ =	shalt  }
0x41: {  	_ =	shalt  }
0x42: {  	_ =	shalt  }
0x43: {  	_ =	shalt  }
0x44: {  	_ =	shalt  }
0x45: {  	_ =	shalt  }
0x46: {  	_ =	shalt  }
0x47: {  	_ =	shalt  }
0x48: {  	_ =	shalt  }
0x49: {  	_ =	shalt  }
0x4a: {  	_ =	shalt  }
0x4b: {  	_ =	shalt  }
0x4c: {  	_ =	shalt  }
0x4d: {  	_ =	shalt  }
0x4e: {  	_ =	shalt  }
0x4f: {  	_ =	shalt  }
0x50: {  	_ =	shalt  }
0x51: {  	_ =	shalt  }
0x52: {  	_ =	shalt  }
0x53: {  	_ =	shalt  }
0x54: {  	_ =	shalt  }
0x55: {  	_ =	shalt  }
0x56: {  	_ =	shalt  }
0x57: {  	_ =	shalt  }
0x58: {  	_ =	shalt  }
0x59: {  	_ =	shalt  }
0x5a: {  	_ =	shalt  }
0x5b: {  	_ =	shalt  }
0x5c: {  	_ =	shalt  }
0x5d: {  	_ =	shalt  }
0x5e: {  	_ =	shalt  }
0x5f: {  	_ =	shalt  }
0x60: {  	_ =	shalt  }
0x61: {  	_ =	shalt  }
0x62: {  	_ =	shalt  }
0x63: {  	_ =	shalt  }
0x64: {  	_ =	shalt  }
0x65: {  	_ =	shalt  }
0x66: {  	_ =	shalt  }
0x67: {  	_ =	shalt  }
0x68: {  	_ =	shalt  }
0x69: {  	_ =	shalt  }
0x6a: {  	_ =	shalt  }
0x6b: {  	_ =	shalt  }
0x6c: {  	_ =	shalt  }
0x6d: {  	_ =	shalt  }
0x6e: {  	_ =	shalt  }
0x6f: {  	_ =	shalt  }
0x70: {  	_ =	shalt  }
0x71: {  	_ =	shalt  }
0x72: {  	_ =	shalt  }
0x73: {  	_ =	shalt  }
0x74: {  	_ =	shalt  }
0x75: {  	_ =	shalt  }
0x76: {  	_ =	shalt  }
0x77: {  	_ =	shalt  }
0x78: {  	_ =	shalt  }
0x79: {  	_ =	shalt  }
0x7a: {  	_ =	shalt  }
0x7b: {  	_ =	shalt  }
0x7c: {  	_ =	shalt  }
0x7d: {  	_ =	shalt  }
0x7e: {  	_ =	shalt  }
0x7f: {  	_ =	shalt  }
0x80: {  	_ =	shalt  }
0x81: {  	_ =	shalt  }
0x82: {  	_ =	shalt  }
0x83: {  	_ =	shalt  }
0x84: {  	_ =	shalt  }
0x85: {  	_ =	shalt  }
0x86: {  	_ =	shalt  }
0x87: {  	_ =	shalt  }
.Lfunc_end0:
.L_simem_size_0:
called_computation_lowered:
.L_overlay_start_0:
0x88: {  	s2 =	sld [smem:$0x3FD9]  }
0x89: {  	s3 =	sld [smem:$0x3FFE];
	_ =	sdelay $0x1  }
0x8a: {  	s1 =	srdreg.scid  }
0x8b: {  	s0 =	sand.u32 $0x1, s1  }
0x8c: {  	s18 =	sshll.u32 s0, $0xA;
	s2 =	sadd.s32 s3, s2  }
0x8d: {  	s2 =	sadd.s32 s2, s18  }
0x8e: {  	[smem:$0x3FC6] =	sst s2  }
0x8f: {  	_ = 	snop  }
0x90: {  	s2 =	sld [smem:$0x3FC9]  }
0x91: {  	s19 =	sld [smem:$0x3FC8]  }
0x92: {  	s4 =	sld [smem:$0x3FD0];
	(tm) =	ssettm $0x1  }
0x93: {  	s5 =	sld [smem:$0x3FFB];
	_ =	sdelay $0x3  }
0x94: {  	_ =	strace s5  }
0x95: {  	s5 =	sld [smem:$0x3FFC];
	_ =	sdelay $0x3  }
0x96: {  	_ =	strace s5  }
0x97: {  	s5 =	sld [smem:$0x3FFD];
	_ =	sdelay $0x3  }
0x98: {  	_ =	strace s5  }
0x99: {  	_ =	strace $0x8FFFFFFF  }
0x9a: {  	s20 =	sld [smem:$0x3FDB];
	_ =	sdelay $0x1  }
0x9b: {  	s6 =	simm.s32 $_scs_section_size  }
0x9c: {  	s7 =	simm.s32 $_size__tile_overlayer_lowered;
	s8 =	simm.s32 $_tile_overlayer_lowered  }
0x9d: {  	s23 =	simm.s32 $0x1BFF;
	s22 =	sshll.u32 s8, $0x1;
	s5 =	sadd.s32 s6, s20  }
0x9e: {  	s9 =	simm.s32 $0x0;
	s21 =	sshll.u32 s7, $0x1;
	s7 =	sadd.s32 s22, s5  }
0x9f: {  	[timem:s9], [sflag:s23] =	dma.local [hbm:s7], s21  }
0xa0: {  	_ =	swait.ge [sflag:s23], s21  }
0xa1: {  	s6 =	ssub.s32 $0x0, s21;
	[sflag:s23] =	ssyncset.done $0x0  }
0xa2: {  	[sflag:s23] =	ssyncadd.s32 s6;
	_ =	sdelay $0x1  }
0xa3: {  	s24 =	simm.s32 $0x1B8B  }
0xa4: {  	_ =	swait.ge [sflag:s24], $0x1  }
0xa5: {  	[sflag:s24] =	ssyncset.done $0x0  }
0xa6: {  	s25 =	simm.s32 $0x1B8E;
	[sflag:s24] =	ssyncadd.s32 $0xFFFFFFFF  }
0xa7: {  	s26 =	simm.s32 $execute0_lowered;
	[smem:$0x3FD2] =	sst s25  }
0xa8: {  	s6 =	sshll.u32 s26, $0x1;
	_ =	strace $0x80000046;
	[dreg:$0x1] =	wrdreg $0xFFFFFFFF  }
0xa9: {  	s28 =	simm.s32 $_size_execute0_lowered;
	s5 =	sadd.s32 s5, s6;
	[dreg:$0x0] =	wrdreg $0x0  }
0xaa: {  	s6 =	sshll.u32 s28, $0x1;
	[dreg:$0x2] =	wrdreg s5  }
0xab: {  	[dreg:$0x3] =	wrdreg s6  }
0xac: {  	[dreg:$0x4] =	wrdreg $0xC0  }
0xad: {  	_ =	task [dreg:s9], $0x5FFFF  }
0xae: {  	[dreg:$0x1] =	wrdreg $0xFFFFFFFF  }
0xaf: {  	[dreg:$0x0] =	wrdreg $0x60  }
0xb0: {  	[dreg:$0x2] =	wrdreg s2  }
0xb1: {  	[dreg:$0x3] =	wrdreg s19  }
0xb2: {  	[dreg:$0x4] =	wrdreg s4  }
0xb3: {  	[dreg:$0x5] =	wrdreg $0x9  }
0xb4: {  	_ =	task.clear_ibuf [dreg:s9], $0x6FFFF;
	_ =	strace $0x90000046  }
0xb5: {  	s29 =	simm.s32 $0x9;
	_ =	strace $0x80000048  }
0xb6: {  	_ =	swait.ge [sflag:s29], $0x1  }
0xb7: {  	[sflag:s29] =	ssyncadd.s32 $0xFFFFFFFF  }
0xb8: {  	_ =	strace $0x90000048  }
0xb9: {  	_ =	sfence  }
0xba: {  	s30 =	sld [smem:$0x0];
	_ =	sdelay $0x2  }
0xbb: {  	s31 =	sshll.u32 s1, $0xD;
	s1 =	sshrl.u32 s1, $0x2  }
0xbc: {  	s3 =	sand.u32 $0x4000, s31;
	s1 =	sadd.s32 s1, s30  }
0xbd: {  	s0 =	sor.u32 s3, s0;
	s1 =	sshll.u32 s1, $0x11  }
0xbe: {  	s0 =	sor.u32 s1, s0  }
0xbf: {  	s0 =	sadd.s32 $0x8F2B, s0  }
0xc0: {  	[sflag:s0] =	ssyncadd.remote.s32 $0x1  }
0xc1: {  	_ =	sfence.sel $0xFFFF  }
0xc2: {  	[dreg:$0x0] =	wrdreg $0xFFFFFFFF;
	(pc) =	sbr.abs _section_cstart, $3  }
0xc3: {  	[dreg:$0x1] =	wrdreg $0xFFFFFFFF  }
0xc4: {  	_ =	task.clear_ibuf [dreg:s9], $0x2FFFF;
	_ =	strace $0x9FFFFFFF  }
0xc5: {  	(tm) =	ssettm $0x7FFFFFFF  }
tec
execute0_lowered:
.L_overlay_start_1:
0x0: {  	(tag) =	ssettag $0x1  }
0x1: {  	s0 =	rddreg [dreg:$0x0]  }
0x2: {  	s1 =	srdreg.scid;
	s4 =	stileid.u32  }
0x3: {  	s2 =	rddreg [dreg:$0x1];
	s1 =	sand.u32 $0x1, s1;
	s5 =	sshll.u32 s4, $0x1  }
0x4: {  	s3 =	rddreg [dreg:$0x2];
	s30 =	simm.s32 $0x80;
	s6 =	sor.u32 s1, s5  }
0x5: {  	s31 =	simm.s32 $0x1C00;
	s28 =	simm.s32 $0x3;
	s5 =	smul.u32 $0x6, s6  }
0x6: {  	s4 =	simm.s32 $0x0;
	s1 =	ssub.s32 $0x2, s1;
	s7 =	smul.u32 $0x1800, s6  }
0x7: {  	[smem:$0x7FF] =	sst s4;
	s8 =	sshrl.u32 s1, $0x1;
	s10 =	smul.u32 $0x300, s6  }
0x8: {  	s29 =	simm.s32 $0x5;
	_ =	strace $0x80000047;
	s1 =	ssub.s32 s1, s8  }
0x9: {  	s9 =	sshrl.u32 s5, $0x5;
	s7 =	sshrl.u32 s7, $0x3;
	s12 =	sadd.s32 s0, s10  }
0xa: {  	s16 =	sadd.s32 $0x5, s5;
	s26 =	sshll.u32 s9, $0xF;
	s11 =	sshll.u32 s9, $0xC  }
0xb: {  	s7 =	sadd.s32 s0, s7;
	[dreg:$0x4] =	wrdreg s12;
	s13 =	sadd.s32 $0x80, s12  }
0xc: {  	s17 =	sshrl.u32 s16, $0x5;
	s18 =	sshll.u32 s16, $0x7;
	s19 =	sshll.u32 s9, $0x16  }
0xd: {  	s9 =	simm.s32 $0x7;
	s10 =	ssub.s32 s10, s11;
	[dreg:$0x5] =	wrdreg s13  }
0xe: {  	s14 =	sadd.s32 $0x100, s7;
	s15 =	sadd.s32 $0x180, s7;
	s7 =	sadd.s32 $0x200, s7  }
0xf: {  	s13 =	sshll.u32 s6, $0x7;
	s12 =	sadd.s32 s0, s18;
	[dreg:$0x6] =	wrdreg s14  }
0x10: {  	s6 =	sshll.u32 s6, $0xB;
	s21 =	sshll.u32 s17, $0x13;
	[dreg:$0x7] =	wrdreg s15  }
0x11: {  	s22 =	sshll.u32 s17, $0x10;
	s11 =	simm.s32 $0xB;
	[dreg:$0x8] =	wrdreg s7  }
0x12: {  	[dreg:$0x9] =	wrdreg s12;
	s0 =	sadd.s32 s13, s0;
	s20 =	sshll.u32 s10, $0x7  }
0x13: {  	s7 =	sshll.u32 s16, $0xB;
	s8 =	sadd.s32 s26, s10;
	s25 =	sadd.s32 s6, s3  }
0x14: {  	s26 =	smax.u32 s1, $0x1;
	s1 =	simm.s32 $0x8;
	s10 =	simm.s32 $0xA  }
0x15: {  	s13 =	simm.s32 $0x0;
	s12 =	sadd.s32 $0x6000, s0;
	s0 =	sadd.s32 s19, s20  }
0x16: {  	s7 =	sadd.s32 s21, s7;
	s8 =	sshll.u32 s8, $0x4;
	s6 =	sadd.s32 $0x300000, s25  }
0x17: {  	[dreg:$0xf] =	wrdreg s26;
	s26 =	simm.s32 $0x1;
	s20 =	simm.s32 $0x5C00  }
0x18: {  	s21 =	simm.s32 $0xDC00;
	s0 =	sshrl.u32 s0, $0x3;
	s7 =	ssub.s32 s7, s22  }
0x19: {  	s23 =	sadd.s32 s3, s8;
	[dreg:$0xd] =	wrdreg s6;
	s22 =	simm.s32 $0x4  }
0x1a: {  	s8 =	simm.s32 $0x9;
	s6 =	simm.s32 $0xC;
	s0 =	sadd.s32 s3, s0  }
0x1b: {  	s7 =	sadd.s32 s3, s7;
	[dreg:$0xa] =	wrdreg s0;
	s0 =	sadd.s32 $0x10000, s23  }
0x1c: {  	s24 =	sadd.s32 $0x70000, s7;
	s23 =	simm.s32 $0x2;
	[dreg:$0xb] =	wrdreg s0  }
0x1d: {  	s7 =	simm.s32 $0x6;
	[dreg:$0xc] =	wrdreg s24;
	s0 =	sadd.s32 $0x310000, s25  }
0x1e: {  	s24 =	simm.s32 $0x9C00;
	[dreg:$0xe] =	wrdreg s0;
	s0 =	simm.s32 $0x11C00  }
.LBB2_1:
0x1f: {  	s14 =	rddreg [dreg:$0x4]  }
0x20: {  	[tilespmem:s4], [sflag:$0x1] =	stream.linear.gather [hbm4b:s14+s4], $0x400, $0x38;
	[tilespmem:$0x15C00] =	vst v63  }
0x21: {  	s17 =	rddreg [dreg:$0x5];
	s15 =	simm.s32 $0x400  }
0x22: {  	[tilespmem:s15], [sflag:$0x2] =	stream.linear.gather [hbm4b:s17+s4], $0x400, $0x38;
	[tilespmem:$0x15C00] =	vst v63  }
0x23: {  	s18 =	rddreg [dreg:$0x6];
	s16 =	simm.s32 $0x800  }
0x24: {  	[tilespmem:s16], [sflag:$0x2] =	stream.linear.gather [hbm4b:s18+s4], $0x400, $0x38;
	[tilespmem:$0x15C00] =	vst v63  }
0x25: {  	s19 =	rddreg [dreg:$0x7];
	s25 =	simm.s32 $0xC00  }
0x26: {  	[tilespmem:s25], [sflag:$0x2] =	stream.linear.gather [hbm4b:s19+s4], $0x400, $0x38;
	[tilespmem:$0x15C00] =	vst v63  }
0x27: {  	s17 =	rddreg [dreg:$0x8];
	s18 =	simm.s32 $0x1000  }
0x28: {  	[tilespmem:s18], [sflag:$0x2] =	stream.linear.gather [hbm4b:s17+s4], $0x400, $0x38;
	[tilespmem:$0x15C00] =	vst v63  }
0x29: {  	s19 =	rddreg [dreg:$0x9];
	s25 =	simm.s32 $0x1400  }
0x2a: {  	[tilespmem:s25], [sflag:$0x2] =	stream.linear.gather [hbm4b:s19+s4], $0x400, $0x38;
	[tilespmem:$0x15C00] =	vst v63  }
0x2b: {  	s16 =	simm.s32 $0x8000;
	s17 =	simm.s32 $0x1800  }
0x2c: {  	[tilespmem:s17], [sflag:$0x2] =	stream.strided.gather [hbm4b:s12+s15], $0x0, s16, s15, $0x38;
	[tilespmem:$0x15C00] =	vst v63  }
0x2d: {  	_ = 	snop  }
0x2e: {  	[tilespmem:s17], [sflag:$0x2] =	stream.linear.gather [hbm4b:s12+s4], $0x100, $0x38;
	[tilespmem:$0x15C00] =	vst v63  }
0x2f: {  	_ =	swait.ge [sflag:s26], $0x400  }
0x30: {  	[sflag:s26] =	ssyncset.done $0x0  }
0x31: {  	[sflag:s26] =	ssyncadd.s32 $0xFFFFFC00  }
0x32: {  	v0 =	vld [tilespmem:$0x0]  }
0x33: {  	v1 =	vld [tilespmem:$0x10]  }
0x34: {  	v2 =	vld [tilespmem:$0x20]  }
0x35: {  	v3 =	vld.msk [tilespmem:$0x30], $0x3;
	_ =	sdelay $0x1  }
0x36: {  	v0 =	vadd.s32 $0xFFFF88C6, v0  }
0x37: {  	v1 =	vadd.s32 $0xFFFF88C6, v1;
	[tilespmem:$0x0] =	vst v0  }
0x38: {  	v15 =	vadd.s32 $0xFFFF88C6, v2;
	[tilespmem:$0x10] =	vst v1  }
0x39: {  	s18 =	simm.s32 $0x30;
	v16 =	vadd.s32 $0xFFFF88C6, v3;
	[tilespmem:$0x20] =	vst v15  }
0x3a: {  	[tilespmem:s18+$0x0] =	vst.msk $0x3, v16  }
0x3b: {  	v17 =	vld [tilespmem:$0x32]  }
0x3c: {  	v1 =	vld [tilespmem:$0x42]  }
0x3d: {  	v18 =	vld [tilespmem:$0x52]  }
0x3e: {  	v19 =	vld.msk [tilespmem:$0x62], $0x3;
	_ =	sdelay $0x1  }
0x3f: {  	v0 =	vadd.s32 $0xFFFF88C6, v17  }
0x40: {  	v1 =	vadd.s32 $0xFFFF88C6, v1;
	[tilespmem:$0x32] =	vst v0  }
0x41: {  	v20 =	vadd.s32 $0xFFFF88C6, v18;
	[tilespmem:$0x42] =	vst v1  }
0x42: {  	s19 =	simm.s32 $0x62;
	v21 =	vadd.s32 $0xFFFF88C6, v19;
	[tilespmem:$0x52] =	vst v20  }
0x43: {  	[tilespmem:s19+$0x0] =	vst.msk $0x3, v21  }
0x44: {  	[tilespmem:s31], [sflag:$0x3] =	stream.indirect.gather [hbm4b:s2+s30], $0x80, s4, s30, $0xb8;
	[tilespmem:$0x15C00] =	vst v63  }
0x45: {  	v22 =	vld [tilespmem:$0x80]  }
0x46: {  	v1 =	vld [tilespmem:$0x90]  }
0x47: {  	v23 =	vld [tilespmem:$0xA0]  }
0x48: {  	v24 =	vld.msk [tilespmem:$0xB0], $0x3;
	_ =	sdelay $0x1  }
0x49: {  	v0 =	vadd.s32 $0xFFFF88C6, v22  }
0x4a: {  	v1 =	vadd.s32 $0xFFFF88C6, v1;
	[tilespmem:$0x80] =	vst v0  }
0x4b: {  	v25 =	vadd.s32 $0xFFFF88C6, v23;
	[tilespmem:$0x90] =	vst v1  }
0x4c: {  	s25 =	simm.s32 $0xB0;
	v26 =	vadd.s32 $0xFFFF88C6, v24;
	[tilespmem:$0xA0] =	vst v25  }
0x4d: {  	[tilespmem:s25+$0x0] =	vst.msk $0x3, v26  }
0x4e: {  	v27 =	vld [tilespmem:$0xB2]  }
0x4f: {  	v1 =	vld [tilespmem:$0xC2]  }
0x50: {  	v28 =	vld [tilespmem:$0xD2]  }
0x51: {  	v29 =	vld.msk [tilespmem:$0xE2], $0x3;
	_ =	sdelay $0x1  }
0x52: {  	v0 =	vadd.s32 $0xFFFF88C6, v27  }
0x53: {  	v1 =	vadd.s32 $0xFFFF88C6, v1;
	[tilespmem:$0xB2] =	vst v0  }
0x54: {  	v30 =	vadd.s32 $0xFFFF88C6, v28;
	[tilespmem:$0xC2] =	vst v1  }
0x55: {  	s15 =	simm.s32 $0xE2;
	v31 =	vadd.s32 $0xFFFF88C6, v29;
	[tilespmem:$0xD2] =	vst v30  }
0x56: {  	[tilespmem:s15+$0x0] =	vst.msk $0x3, v31  }
0x57: {  	[tilespmem:s20], [sflag:$0x4] =	stream.indirect.gather [hbm4b:s2+s30], $0x80, s30, s30, $0xb8;
	[tilespmem:$0x15C00] =	vst v63  }
0x58: {  	v32 =	vld [tilespmem:$0x100]  }
0x59: {  	v1 =	vld [tilespmem:$0x110]  }
0x5a: {  	v33 =	vld [tilespmem:$0x120]  }
0x5b: {  	v34 =	vld.msk [tilespmem:$0x130], $0x3;
	_ =	sdelay $0x1  }
0x5c: {  	v0 =	vadd.s32 $0xFFFF88C6, v32  }
0x5d: {  	v1 =	vadd.s32 $0xFFFF88C6, v1;
	[tilespmem:$0x100] =	vst v0  }
0x5e: {  	v35 =	vadd.s32 $0xFFFF88C6, v33;
	[tilespmem:$0x110] =	vst v1  }
0x5f: {  	s16 =	simm.s32 $0x130;
	v36 =	vadd.s32 $0xFFFF88C6, v34;
	[tilespmem:$0x120] =	vst v35  }
0x60: {  	[tilespmem:s16+$0x0] =	vst.msk $0x3, v36  }
0x61: {  	v37 =	vld [tilespmem:$0x132]  }
0x62: {  	v1 =	vld [tilespmem:$0x142]  }
0x63: {  	v38 =	vld [tilespmem:$0x152]  }
0x64: {  	v39 =	vld.msk [tilespmem:$0x162], $0x3;
	_ =	sdelay $0x1  }
0x65: {  	v0 =	vadd.s32 $0xFFFF88C6, v37  }
0x66: {  	v1 =	vadd.s32 $0xFFFF88C6, v1;
	[tilespmem:$0x132] =	vst v0  }
0x67: {  	v40 =	vadd.s32 $0xFFFF88C6, v38;
	[tilespmem:$0x142] =	vst v1  }
0x68: {  	s17 =	simm.s32 $0x162;
	v41 =	vadd.s32 $0xFFFF88C6, v39;
	[tilespmem:$0x152] =	vst v40  }
0x69: {  	s18 =	simm.s32 $0x100;
	[tilespmem:s17+$0x0] =	vst.msk $0x3, v41  }
0x6a: {  	[tilespmem:s24], [sflag:$0x5] =	stream.indirect.gather [hbm4b:s2+s30], $0x80, s18, s30, $0xb8;
	[tilespmem:$0x15C00] =	vst v63  }
0x6b: {  	_ =	swait.ge [sflag:s28], $0x4000  }
0x6c: {  	[sflag:s28] =	ssyncset.done $0x0  }
0x6d: {  	s19 =	rddreg [dreg:$0xa];
	[sflag:s28] =	ssyncadd.s32 $0xFFFFC000  }
0x6e: {  	[hbm4b:s19+s4] =	stream.linear.scatter [tilespmem:s31], [sflag:$0x8], $0x4000, $0x38;
	[tilespmem:$0x15C00] =	vst v63  }
0x6f: {  	v42 =	vld [tilespmem:$0x180]  }
0x70: {  	v43 =	vld [tilespmem:$0x190]  }
0x71: {  	v44 =	vld [tilespmem:$0x1A0]  }
0x72: {  	v45 =	vld.msk [tilespmem:$0x1B0], $0x3;
	_ =	sdelay $0x1  }
0x73: {  	v0 =	vadd.s32 $0xFFFF88C6, v42  }
0x74: {  	v1 =	vadd.s32 $0xFFFF88C6, v43;
	[tilespmem:$0x180] =	vst v0  }
0x75: {  	v46 =	vadd.s32 $0xFFFF88C6, v44;
	[tilespmem:$0x190] =	vst v1  }
0x76: {  	s25 =	simm.s32 $0x1B0;
	v47 =	vadd.s32 $0xFFFF88C6, v45;
	[tilespmem:$0x1A0] =	vst v46  }
0x77: {  	[tilespmem:s25+$0x0] =	vst.msk $0x3, v47  }
0x78: {  	v48 =	vld [tilespmem:$0x1B2]  }
0x79: {  	v1 =	vld [tilespmem:$0x1C2]  }
0x7a: {  	v49 =	vld [tilespmem:$0x1D2]  }
0x7b: {  	v50 =	vld.msk [tilespmem:$0x1E2], $0x3;
	_ =	sdelay $0x1  }
0x7c: {  	v0 =	vadd.s32 $0xFFFF88C6, v48  }
0x7d: {  	v1 =	vadd.s32 $0xFFFF88C6, v1;
	[tilespmem:$0x1B2] =	vst v0  }
0x7e: {  	v51 =	vadd.s32 $0xFFFF88C6, v49;
	[tilespmem:$0x1C2] =	vst v1  }
0x7f: {  	s15 =	simm.s32 $0x1E2;
	v52 =	vadd.s32 $0xFFFF88C6, v50;
	[tilespmem:$0x1D2] =	vst v51  }
0x80: {  	s16 =	simm.s32 $0x180;
	[tilespmem:s15+$0x0] =	vst.msk $0x3, v52  }
0x81: {  	[tilespmem:s21], [sflag:$0x6] =	stream.indirect.gather [hbm4b:s2+s30], $0x80, s16, s30, $0xb8;
	[tilespmem:$0x15C00] =	vst v63  }
0x82: {  	_ =	swait.ge [sflag:s22], $0x4000  }
0x83: {  	[sflag:s22] =	ssyncset.done $0x0  }
0x84: {  	s17 =	rddreg [dreg:$0xb];
	[sflag:s22] =	ssyncadd.s32 $0xFFFFC000  }
0x85: {  	[hbm4b:s17+s4] =	stream.linear.scatter [tilespmem:s20], [sflag:$0x9], $0x4000, $0x38;
	[tilespmem:$0x15C00] =	vst v63  }
0x86: {  	v53 =	vld [tilespmem:$0x200]  }
0x87: {  	v54 =	vld [tilespmem:$0x210]  }
0x88: {  	v55 =	vld [tilespmem:$0x220]  }
0x89: {  	v56 =	vld.msk [tilespmem:$0x230], $0x3;
	_ =	sdelay $0x1  }
0x8a: {  	v0 =	vadd.s32 $0xFFFF88C6, v53  }
0x8b: {  	v1 =	vadd.s32 $0xFFFF88C6, v54;
	[tilespmem:$0x200] =	vst v0  }
0x8c: {  	v57 =	vadd.s32 $0xFFFF88C6, v55;
	[tilespmem:$0x210] =	vst v1  }
0x8d: {  	s18 =	simm.s32 $0x230;
	v58 =	vadd.s32 $0xFFFF88C6, v56;
	[tilespmem:$0x220] =	vst v57  }
0x8e: {  	[tilespmem:s18+$0x0] =	vst.msk $0x3, v58  }
0x8f: {  	v59 =	vld [tilespmem:$0x232]  }
0x90: {  	v1 =	vld [tilespmem:$0x242]  }
0x91: {  	v60 =	vld [tilespmem:$0x252]  }
0x92: {  	v61 =	vld.msk [tilespmem:$0x262], $0x3;
	_ =	sdelay $0x1  }
0x93: {  	v0 =	vadd.s32 $0xFFFF88C6, v59  }
0x94: {  	v1 =	vadd.s32 $0xFFFF88C6, v1;
	[tilespmem:$0x232] =	vst v0  }
0x95: {  	v62 =	vadd.s32 $0xFFFF88C6, v60;
	[tilespmem:$0x242] =	vst v1  }
0x96: {  	s19 =	simm.s32 $0x262;
	v63 =	vadd.s32 $0xFFFF88C6, v61;
	[tilespmem:$0x252] =	vst v62  }
0x97: {  	s25 =	simm.s32 $0x200;
	[tilespmem:s19+$0x0] =	vst.msk $0x3, v63  }
0x98: {  	[tilespmem:s0], [sflag:$0x7] =	stream.indirect.gather [hbm4b:s2+s30], $0x80, s25, s30, $0xb8;
	[tilespmem:$0x15C00] =	vst v63  }
0x99: {  	_ =	swait.ge [sflag:s23], $0x1500  }
0x9a: {  	s14 =	simm.s32 $0x6;
	[sflag:s23] =	ssyncset.done $0x0  }
0x9b: {  	s15 =	simm.s32 $0x0;
	s19 =	simm.s32 $0x60000;
	[sflag:s23] =	ssyncadd.s32 $0xFFFFEB00  }
.LBB2_2:
0x9c: {  	s16 =	sadd.s32 $0xFFFFFFFC, s14  }
0x9d: {  	s16 =	sshrl.u32 s16, $0x3  }
0x9e: {  	s17 =	sadd.s32 $0xFFFC0000, s19;
	s16 =	sadd.s32 s5, s16  }
0x9f: {  	s17 =	sand.u32 $0x70000, s17;
	s25 =	sshrl.u32 s16, $0x5;
	s16 =	sshll.u32 s16, $0xB  }
0xa0: {  	s18 =	sshll.u32 s25, $0x13;
	s16 =	sadd.s32 s17, s16  }
0xa1: {  	_ =	swait.ge [sflag:s29], $0x4000;
	s16 =	sadd.s32 s18, s16;
	s18 =	sshll.u32 s25, $0x10  }
0xa2: {  	[sflag:s29] =	ssyncset.done $0x0;
	s16 =	ssub.s32 s16, s18  }
0xa3: {  	[sflag:s29] =	ssyncadd.s32 $0xFFFFC000;
	s16 =	sadd.s32 s3, s16  }
0xa4: {  	[hbm4b:s16+s4] =	stream.linear.scatter [tilespmem:s24], [sflag:$0xA], $0x4000, $0x38;
	[tilespmem:$0x15C00] =	vst v63  }
0xa5: {  	_ =	swait.ge [sflag:s1], $0x4000  }
0xa6: {  	[sflag:s1] =	ssyncset.done $0x0  }
0xa7: {  	s16 =	sshra.s32 s15, $0x2;
	[sflag:s1] =	ssyncadd.s32 $0xFFFFC000  }
0xa8: {  	v0 =	vld [tilespmem:s16+$0x280]  }
0xa9: {  	v1 =	vld [tilespmem:s16+$0x290]  }
0xaa: {  	v2 =	vld [tilespmem:s16+$0x2A0]  }
0xab: {  	v3 =	vld.msk [tilespmem:s16+$0x2B0], $0x3  }
0xac: {  	v4 =	vld [tilespmem:s16+$0x2B2]  }
0xad: {  	v5 =	vld [tilespmem:s16+$0x2C2];
	v0 =	vadd.s32 $0xFFFF88C6, v0  }
0xae: {  	v19 =	vld [tilespmem:s16+$0x2D2];
	v1 =	vadd.s32 $0xFFFF88C6, v1;
	[tilespmem:s16+$0x280] =	vst v0  }
0xaf: {  	v20 =	vld.msk [tilespmem:s16+$0x2E2], $0x3;
	v2 =	vadd.s32 $0xFFFF88C6, v2;
	[tilespmem:s16+$0x290] =	vst v1  }
0xb0: {  	v3 =	vadd.s32 $0xFFFF88C6, v3;
	[tilespmem:s16+$0x2A0] =	vst v2  }
0xb1: {  	v21 =	vadd.s32 $0xFFFF88C6, v4;
	[tilespmem:s16+$0x2B0] =	vst.msk $0x3, v3  }
0xb2: {  	v22 =	vadd.s32 $0xFFFF88C6, v5;
	[tilespmem:s16+$0x2B2] =	vst v21  }
0xb3: {  	s18 =	sadd.s32 $0xFFFFFFFD, s14;
	v0 =	vadd.s32 $0xFFFF88C6, v19;
	[tilespmem:s16+$0x2C2] =	vst v22  }
0xb4: {  	s17 =	sshrl.u32 s18, $0x3;
	v1 =	vadd.s32 $0xFFFF88C6, v20;
	[tilespmem:s16+$0x2D2] =	vst v0  }
0xb5: {  	s18 =	sadd.s32 $0xFFFD0000, s19;
	s17 =	sadd.s32 s5, s17;
	s25 =	sadd.s32 $0x280, s16;
	[tilespmem:s16+$0x2E2] =	vst.msk $0x3, v1  }
0xb6: {  	[tilespmem:s31], [sflag:$0x3] =	stream.indirect.gather [hbm4b:s2+s30], $0x80, s25, s30, $0xb8;
	[tilespmem:$0x15C00] =	vst v63  }
0xb7: {  	s18 =	sand.u32 $0x70000, s18;
	s25 =	sshrl.u32 s17, $0x5;
	s17 =	sshll.u32 s17, $0xB  }
0xb8: {  	s17 =	sadd.s32 s18, s17;
	s18 =	sshll.u32 s25, $0x13  }
0xb9: {  	_ =	swait.ge [sflag:s7], $0x4000;
	s25 =	sshll.u32 s25, $0x10;
	s17 =	sadd.s32 s18, s17  }
0xba: {  	[sflag:s7] =	ssyncset.done $0x0;
	s17 =	ssub.s32 s17, s25  }
0xbb: {  	[sflag:s7] =	ssyncadd.s32 $0xFFFFC000;
	s17 =	sadd.s32 s3, s17  }
0xbc: {  	[hbm4b:s17+s4] =	stream.linear.scatter [tilespmem:s21], [sflag:$0xB], $0x4000, $0x38;
	[tilespmem:$0x15C00] =	vst v63  }
0xbd: {  	_ =	swait.ge [sflag:s8], $0x4000  }
0xbe: {  	[sflag:s8] =	ssyncset.done $0x0  }
0xbf: {  	[sflag:s8] =	ssyncadd.s32 $0xFFFFC000  }
0xc0: {  	v23 =	vld [tilespmem:s16+$0x300]  }
0xc1: {  	v24 =	vld [tilespmem:s16+$0x310]  }
0xc2: {  	v25 =	vld [tilespmem:s16+$0x320]  }
0xc3: {  	v26 =	vld.msk [tilespmem:s16+$0x330], $0x3  }
0xc4: {  	v27 =	vld [tilespmem:s16+$0x332]  }
0xc5: {  	v28 =	vld [tilespmem:s16+$0x342];
	v0 =	vadd.s32 $0xFFFF88C6, v23  }
0xc6: {  	v29 =	vld [tilespmem:s16+$0x352];
	v1 =	vadd.s32 $0xFFFF88C6, v24;
	[tilespmem:s16+$0x300] =	vst v0  }
0xc7: {  	v30 =	vld.msk [tilespmem:s16+$0x362], $0x3;
	v2 =	vadd.s32 $0xFFFF88C6, v25;
	[tilespmem:s16+$0x310] =	vst v1  }
0xc8: {  	v3 =	vadd.s32 $0xFFFF88C6, v26;
	[tilespmem:s16+$0x320] =	vst v2  }
0xc9: {  	v31 =	vadd.s32 $0xFFFF88C6, v27;
	[tilespmem:s16+$0x330] =	vst.msk $0x3, v3  }
0xca: {  	v32 =	vadd.s32 $0xFFFF88C6, v28;
	[tilespmem:s16+$0x332] =	vst v31  }
0xcb: {  	s18 =	sadd.s32 $0xFFFFFFFE, s14;
	v0 =	vadd.s32 $0xFFFF88C6, v29;
	[tilespmem:s16+$0x342] =	vst v32  }
0xcc: {  	s17 =	sshrl.u32 s18, $0x3;
	v1 =	vadd.s32 $0xFFFF88C6, v30;
	[tilespmem:s16+$0x352] =	vst v0  }
0xcd: {  	s25 =	sadd.s32 $0x300, s16;
	s18 =	sadd.s32 $0xFFFE0000, s19;
	s17 =	sadd.s32 s5, s17;
	[tilespmem:s16+$0x362] =	vst.msk $0x3, v1  }
0xce: {  	[tilespmem:s20], [sflag:$0x4] =	stream.indirect.gather [hbm4b:s2+s30], $0x80, s25, s30, $0xb8;
	[tilespmem:$0x15C00] =	vst v63  }
0xcf: {  	s18 =	sand.u32 $0x70000, s18;
	s25 =	sshrl.u32 s17, $0x5;
	s17 =	sshll.u32 s17, $0xB  }
0xd0: {  	s17 =	sadd.s32 s18, s17;
	s18 =	sshll.u32 s25, $0x13  }
0xd1: {  	_ =	swait.ge [sflag:s9], $0x4000;
	s25 =	sshll.u32 s25, $0x10;
	s17 =	sadd.s32 s18, s17  }
0xd2: {  	[sflag:s9] =	ssyncset.done $0x0;
	s17 =	ssub.s32 s17, s25  }
0xd3: {  	[sflag:s9] =	ssyncadd.s32 $0xFFFFC000;
	s17 =	sadd.s32 s3, s17  }
0xd4: {  	[hbm4b:s17+s4] =	stream.linear.scatter [tilespmem:s0], [sflag:$0xC], $0x4000, $0x38;
	[tilespmem:$0x15C00] =	vst v63  }
0xd5: {  	_ =	swait.ge [sflag:s10], $0x4000  }
0xd6: {  	[sflag:s10] =	ssyncset.done $0x0  }
0xd7: {  	[sflag:s10] =	ssyncadd.s32 $0xFFFFC000  }
0xd8: {  	v33 =	vld [tilespmem:s16+$0x380]  }
0xd9: {  	v34 =	vld [tilespmem:s16+$0x390]  }
0xda: {  	v35 =	vld [tilespmem:s16+$0x3A0]  }
0xdb: {  	v36 =	vld.msk [tilespmem:s16+$0x3B0], $0x3  }
0xdc: {  	v37 =	vld [tilespmem:s16+$0x3B2]  }
0xdd: {  	v38 =	vld [tilespmem:s16+$0x3C2];
	v0 =	vadd.s32 $0xFFFF88C6, v33  }
0xde: {  	v39 =	vld [tilespmem:s16+$0x3D2];
	v1 =	vadd.s32 $0xFFFF88C6, v34;
	[tilespmem:s16+$0x380] =	vst v0  }
0xdf: {  	v40 =	vld.msk [tilespmem:s16+$0x3E2], $0x3;
	v2 =	vadd.s32 $0xFFFF88C6, v35;
	[tilespmem:s16+$0x390] =	vst v1  }
0xe0: {  	v3 =	vadd.s32 $0xFFFF88C6, v36;
	[tilespmem:s16+$0x3A0] =	vst v2  }
0xe1: {  	v41 =	vadd.s32 $0xFFFF88C6, v37;
	[tilespmem:s16+$0x3B0] =	vst.msk $0x3, v3  }
0xe2: {  	v42 =	vadd.s32 $0xFFFF88C6, v38;
	[tilespmem:s16+$0x3B2] =	vst v41  }
0xe3: {  	s17 =	sadd.s32 $0xFFFFFFFF, s14;
	v0 =	vadd.s32 $0xFFFF88C6, v39;
	[tilespmem:s16+$0x3C2] =	vst v42  }
0xe4: {  	s17 =	sshrl.u32 s17, $0x3;
	v1 =	vadd.s32 $0xFFFF88C6, v40;
	[tilespmem:s16+$0x3D2] =	vst v0  }
0xe5: {  	s18 =	sadd.s32 $0xFFFF0000, s19;
	s25 =	sadd.s32 $0x380, s16;
	s17 =	sadd.s32 s5, s17;
	[tilespmem:s16+$0x3E2] =	vst.msk $0x3, v1  }
0xe6: {  	[tilespmem:s24], [sflag:$0x5] =	stream.indirect.gather [hbm4b:s2+s30], $0x80, s25, s30, $0xb8;
	[tilespmem:$0x15C00] =	vst v63  }
0xe7: {  	s18 =	sand.u32 $0x70000, s18;
	s25 =	sshrl.u32 s17, $0x5;
	s17 =	sshll.u32 s17, $0xB  }
0xe8: {  	s17 =	sadd.s32 s18, s17;
	s18 =	sshll.u32 s25, $0x13  }
0xe9: {  	_ =	swait.ge [sflag:s28], $0x4000;
	s25 =	sshll.u32 s25, $0x10;
	s17 =	sadd.s32 s18, s17  }
0xea: {  	[sflag:s28] =	ssyncset.done $0x0;
	s17 =	ssub.s32 s17, s25  }
0xeb: {  	[sflag:s28] =	ssyncadd.s32 $0xFFFFC000;
	s17 =	sadd.s32 s3, s17  }
0xec: {  	[hbm4b:s17+s4] =	stream.linear.scatter [tilespmem:s31], [sflag:$0x8], $0x4000, $0x38;
	[tilespmem:$0x15C00] =	vst v63  }
0xed: {  	_ =	swait.ge [sflag:s11], $0x4000  }
0xee: {  	[sflag:s11] =	ssyncset.done $0x0  }
0xef: {  	[sflag:s11] =	ssyncadd.s32 $0xFFFFC000  }
0xf0: {  	v43 =	vld [tilespmem:s16+$0x400]  }
0xf1: {  	v44 =	vld [tilespmem:s16+$0x410]  }
0xf2: {  	v45 =	vld [tilespmem:s16+$0x420]  }
0xf3: {  	v46 =	vld.msk [tilespmem:s16+$0x430], $0x3  }
0xf4: {  	v47 =	vld [tilespmem:s16+$0x432]  }
0xf5: {  	v48 =	vld [tilespmem:s16+$0x442];
	v0 =	vadd.s32 $0xFFFF88C6, v43  }
0xf6: {  	v49 =	vld [tilespmem:s16+$0x452];
	v1 =	vadd.s32 $0xFFFF88C6, v44;
	[tilespmem:s16+$0x400] =	vst v0  }
0xf7: {  	v50 =	vld.msk [tilespmem:s16+$0x462], $0x3;
	v2 =	vadd.s32 $0xFFFF88C6, v45;
	[tilespmem:s16+$0x410] =	vst v1  }
0xf8: {  	v3 =	vadd.s32 $0xFFFF88C6, v46;
	[tilespmem:s16+$0x420] =	vst v2  }
0xf9: {  	v51 =	vadd.s32 $0xFFFF88C6, v47;
	[tilespmem:s16+$0x430] =	vst.msk $0x3, v3  }
0xfa: {  	v52 =	vadd.s32 $0xFFFF88C6, v48;
	[tilespmem:s16+$0x432] =	vst v51  }
0xfb: {  	v0 =	vadd.s32 $0xFFFF88C6, v49;
	[tilespmem:s16+$0x442] =	vst v52  }
0xfc: {  	s25 =	sshrl.u32 s14, $0x3;
	v1 =	vadd.s32 $0xFFFF88C6, v50;
	[tilespmem:s16+$0x452] =	vst v0  }
0xfd: {  	s18 =	sadd.s32 $0x400, s16;
	s17 =	sadd.s32 s5, s25;
	[tilespmem:s16+$0x462] =	vst.msk $0x3, v1  }
0xfe: {  	[tilespmem:s21], [sflag:$0x6] =	stream.indirect.gather [hbm4b:s2+s30], $0x80, s18, s30, $0xb8;
	[tilespmem:$0x15C00] =	vst v63  }
0xff: {  	s25 =	sand.u32 $0x70000, s19;
	s18 =	sshrl.u32 s17, $0x5;
	s17 =	sshll.u32 s17, $0xB  }
0x100: {  	s17 =	sadd.s32 s25, s17;
	s25 =	sshll.u32 s18, $0x13  }
0x101: {  	_ =	swait.ge [sflag:s22], $0x4000;
	s18 =	sshll.u32 s18, $0x10;
	s17 =	sadd.s32 s25, s17  }
0x102: {  	[sflag:s22] =	ssyncset.done $0x0;
	s17 =	ssub.s32 s17, s18  }
0x103: {  	[sflag:s22] =	ssyncadd.s32 $0xFFFFC000;
	s17 =	sadd.s32 s3, s17  }
0x104: {  	[hbm4b:s17+s4] =	stream.linear.scatter [tilespmem:s20], [sflag:$0x9], $0x4000, $0x38;
	[tilespmem:$0x15C00] =	vst v63  }
0x105: {  	_ =	swait.ge [sflag:s6], $0x4000  }
0x106: {  	[sflag:s6] =	ssyncset.done $0x0  }
0x107: {  	[sflag:s6] =	ssyncadd.s32 $0xFFFFC000  }
0x108: {  	v53 =	vld [tilespmem:s16+$0x480]  }
0x109: {  	v54 =	vld [tilespmem:s16+$0x490]  }
0x10a: {  	v55 =	vld [tilespmem:s16+$0x4A0]  }
0x10b: {  	v56 =	vld.msk [tilespmem:s16+$0x4B0], $0x3  }
0x10c: {  	v57 =	vld [tilespmem:s16+$0x4B2]  }
0x10d: {  	v58 =	vld [tilespmem:s16+$0x4C2];
	v0 =	vadd.s32 $0xFFFF88C6, v53  }
0x10e: {  	v59 =	vld [tilespmem:s16+$0x4D2];
	v1 =	vadd.s32 $0xFFFF88C6, v54;
	[tilespmem:s16+$0x480] =	vst v0  }
0x10f: {  	v60 =	vld.msk [tilespmem:s16+$0x4E2], $0x3;
	v2 =	vadd.s32 $0xFFFF88C6, v55;
	[tilespmem:s16+$0x490] =	vst v1  }
0x110: {  	v61 =	vadd.s32 $0xFFFF88C6, v56;
	[tilespmem:s16+$0x4A0] =	vst v2  }
0x111: {  	p0 =	sne.s32 s15, $0x5000;
	v62 =	vadd.s32 $0xFFFF88C6, v57;
	[tilespmem:s16+$0x4B0] =	vst.msk $0x3, v61  }
.Ltmp0:
0x112: {  	v63 =	vadd.s32 $0xFFFF88C6, v58;
	[tilespmem:s16+$0x4B2] =	vst v62;
	(pc) =	sbr.rel @p0 .LBB2_2-.Ltmp0, $4  }
0x113: {  	v0 =	vadd.s32 $0xFFFF88C6, v59;
	[tilespmem:s16+$0x4C2] =	vst v63  }
0x114: {  	s15 =	sadd.s32 $0xA00, s15;
	v1 =	vadd.s32 $0xFFFF88C6, v60;
	[tilespmem:s16+$0x4D2] =	vst v0  }
0x115: {  	s14 =	sadd.s32 $0x5, s14;
	s19 =	sadd.s32 $0x50000, s19;
	[tilespmem:s16+$0x4E2] =	vst.msk $0x3, v1;
	s16 =	sadd.s32 $0x480, s16  }
0x116: {  	[tilespmem:s0], [sflag:$0x7] =	stream.indirect.gather [hbm4b:s2+s30], $0x80, s16, s30, $0xb8;
	[tilespmem:$0x15C00] =	vst v63  }
0x117: {  	_ =	swait.ge [sflag:s29], $0x4000  }
0x118: {  	[sflag:s29] =	ssyncset.done $0x0  }
0x119: {  	s14 =	rddreg [dreg:$0xc];
	[sflag:s29] =	ssyncadd.s32 $0xFFFFC000  }
0x11a: {  	[hbm4b:s14+s4] =	stream.linear.scatter [tilespmem:s24], [sflag:$0xA], $0x4000, $0x38;
	[tilespmem:$0x15C00] =	vst v63  }
0x11b: {  	_ =	swait.ge [sflag:s1], $0x4000  }
0x11c: {  	[sflag:s1] =	ssyncset.done $0x0  }
0x11d: {  	[sflag:s1] =	ssyncadd.s32 $0xFFFFC000  }
0x11e: {  	_ =	swait.ge [sflag:s7], $0x4000  }
0x11f: {  	[sflag:s7] =	ssyncset.done $0x0  }
0x120: {  	s18 =	rddreg [dreg:$0xd];
	[sflag:s7] =	ssyncadd.s32 $0xFFFFC000  }
0x121: {  	[hbm4b:s18+s4] =	stream.linear.scatter [tilespmem:s21], [sflag:$0xB], $0x4000, $0x38;
	[tilespmem:$0x15C00] =	vst v63  }
0x122: {  	_ =	swait.ge [sflag:s8], $0x4000  }
0x123: {  	[sflag:s8] =	ssyncset.done $0x0  }
0x124: {  	[sflag:s8] =	ssyncadd.s32 $0xFFFFC000  }
0x125: {  	_ =	swait.ge [sflag:s9], $0x4000  }
0x126: {  	[sflag:s9] =	ssyncset.done $0x0  }
0x127: {  	s19 =	rddreg [dreg:$0xe];
	[sflag:s9] =	ssyncadd.s32 $0xFFFFC000  }
0x128: {  	[hbm4b:s19+s4] =	stream.linear.scatter [tilespmem:s0], [sflag:$0xC], $0x4000, $0x38;
	[tilespmem:$0x15C00] =	vst v63  }
0x129: {  	_ =	swait.ge [sflag:s10], $0x4000  }
0x12a: {  	[sflag:s10] =	ssyncset.done $0x0  }
0x12b: {  	[sflag:s10] =	ssyncadd.s32 $0xFFFFC000  }
0x12c: {  	_ =	swait.ge [sflag:s11], $0x4000  }
0x12d: {  	[sflag:s11] =	ssyncset.done $0x0  }
0x12e: {  	[sflag:s11] =	ssyncadd.s32 $0xFFFFC000  }
0x12f: {  	_ =	swait.ge [sflag:s6], $0x4000  }
0x130: {  	s13 =	sadd.s32 $0x1, s13;
	s25 =	rddreg [dreg:$0xf]  }
0x131: {  	p0 =	sne.s32 s13, s25  }
.Ltmp1:
0x132: {  	_ = 	snop;
	(pc) =	sbr.rel @p0 .LBB2_1-.Ltmp1, $3  }
0x133: {  	_ =	sdelay $0x1  }
0x134: {  	[sflag:s6] =	ssyncset.done $0x0  }
0x135: {  	[sflag:s6] =	ssyncadd.s32 $0xFFFFC000  }
0x136: {  	_ =	sfence.sel $0x180000  }
0x137: {  	[bflag:$0x0] =	sbarrier.arrive $0xFFFF  }
0x138: {  	_ =	strace $0x90000047  }
0x139: {  	s0 =	stileid.u32;
	[bflag:$0x2] =	sbarrier.arrive $0xFFFF  }
0x13a: {  	p0 =	sne.s32 s0, $0x0;
	s0 =	rddreg [dreg:$0x3]  }
0x13b: {  	s0 =	sadd.s32 @!p0 $0x100000, s0  }
0x13c: {  	[sflag:s0] =	ssyncadd.tile.s32 @!p0 $0x1;
	_ =	shalt  }
.Lfunc_end2:
_tile_overlayer_lowered:
.L_overlay_start_2:
0x13d: {  	(tag) =	ssettag $0x2  }
0x13e: {  	s0 =	rddreg [dreg:$0x0];
	s2 =	stileid.u32  }
0x13f: {  	s1 =	rddreg [dreg:$0x1];
	p0 =	sne.s32 s2, $0x0  }
0x140: {  	s3 =	rddreg [dreg:$0x2];
	[bflag:$0x3] =	sbarrier.arrive $0xFFFF;
	s2 =	simm.s32 @!p0 $0x1C0D  }
0x141: {  	[timem:s3], [sflag:s2] =	dma.local @!p0 [hbm:s0], s1  }
0x142: {  	s0 =	simm.s32 @!p0 $0xD  }
0x143: {  	_ =	swait.ge @!p0 [sflag:s0], s1  }
0x144: {  	s1 =	ssub.s32 @!p0 $0x0, s1;
	[sflag:s0] =	ssyncset.done @!p0 $0x0  }
0x145: {  	[sflag:s0] =	ssyncadd.s32 @!p0 s1  }
0x146: {  	[bflag:$0x3] =	sbarrier.arrive $0xFFFF  }
0x147: {  	_ =	shalt  }

</sc_bundles>
